<compile_context>
chip_gen: v7x
topology: tpu7x:2x2x1
jax: 0.10.2.dev20260603
libtpu: 0.0.44.dev20260713+nightly
codegen_flags: <defaults>
</compile_context>

<pallas_src>
import jax
import jax.numpy as jnp
from jax import lax
from jax.experimental import pallas as pl
from jax.experimental.pallas import tpu as pltpu
from jax.experimental.pallas import tpu_sc as plsc

NC = 2
NS = 16
NW = NC * NS
CHUNK = 64
ROWPAD = 10112


def _sc_agg_body(ent_hbm, w_hbm, hts_hbm,
                 acc_out, cnt_out,
                 acc_sh, w_sh,
                 idx2_a, idx2_b, head_v, ids_v,
                 rows_a, rows_b, rel_a, rel_b,
                 sem_ea, sem_eb, sem_ra, sem_rb):
    cid = lax.axis_index("c")
    sid = lax.axis_index("s")
    wid = sid * NC + cid

    n_chunks = hts_hbm.shape[0]
    row_chunks = ROWPAD // CHUNK

    zf = jnp.zeros((16,), jnp.float32)

    def init_rows(e, carry):
        for j in range(8):
            rows_a[e, pl.ds(j * 16, 16)] = zf
        return carry
    lax.fori_loop(0, CHUNK, init_rows, 0)

    def set_ids(c):
        base = c * CHUNK
        for k in range(CHUNK // 16):
            ids_v[pl.ds(16 * k, 16)] = lax.iota(jnp.int32, 16) + (base + 16 * k)

    def zero_body(t, carry):
        c = sid + NS * t
        @pl.when(c < row_chunks)
        def _():
            set_ids(c)
            pltpu.sync_copy(rows_a, acc_sh.at[ids_v])
        return carry
    lax.fori_loop(0, pl.cdiv(row_chunks, NS), zero_body, 0)
    @pl.when(sid == 0)
    def _():
        pltpu.sync_copy(w_hbm, w_sh)
    plsc.subcore_barrier()

    def prefetch(c, idx2_n, rows_n, rel_n, sem_en, sem_rn):
        @pl.when(c < n_chunks)
        def _():
            pltpu.sync_copy(hts_hbm.at[c], idx2_n)
            pltpu.async_copy(ent_hbm.at[idx2_n.at[1]], rows_n, sem_en)
            pltpu.async_copy(w_sh.at[idx2_n.at[2]], rel_n, sem_rn)

    def step(t, cur, nxt):
        idx2_c, rows_c, rel_c, sem_ec, sem_rc = cur
        idx2_n, rows_n, rel_n, sem_en, sem_rn = nxt
        c = wid + NW * t
        prefetch(c + NW, idx2_n, rows_n, rel_n, sem_en, sem_rn)
        @pl.when(c < n_chunks)
        def _():
            pltpu.make_async_copy(ent_hbm.at[pl.ds(0, CHUNK)],
                                  rows_c, sem_ec).wait()
            pltpu.make_async_copy(ent_hbm.at[pl.ds(0, CHUNK)],
                                  rel_c, sem_rc).wait()

            def mul_body(e, carry2):
                for j in range(8):
                    s = pl.ds(j * 16, 16)
                    rows_c[e, s] = rows_c[e, s] * rel_c[e, s]
                return carry2
            lax.fori_loop(0, CHUNK, mul_body, 0)

            pltpu.sync_copy(rows_c, acc_sh.at[idx2_c.at[0]], add=True)

    buf_a = (idx2_a, rows_a, rel_a, sem_ea, sem_ra)
    buf_b = (idx2_b, rows_b, rel_b, sem_eb, sem_rb)
    prefetch(wid, *buf_a)

    def edge2_body(u, carry):
        step(2 * u, buf_a, buf_b)
        step(2 * u + 1, buf_b, buf_a)
        return carry
    lax.fori_loop(0, pl.cdiv(pl.cdiv(n_chunks, NW), 2), edge2_body, 0)
    plsc.subcore_barrier()

    def fill_rows(buf, val):
        v = jnp.full((16,), val, jnp.float32)
        def _body(e, carry):
            for j in range(8):
                buf[e, pl.ds(j * 16, 16)] = v
            return carry
        lax.fori_loop(0, CHUNK, _body, 0)

    def out_body(out_hbm, rezero):
        def _body(t, carry):
            c = sid + NS * t
            @pl.when(c < row_chunks)
            def _():
                set_ids(c)
                pltpu.async_copy(acc_sh.at[ids_v], rows_a, sem_ea).wait()
                pltpu.sync_copy(rows_a, out_hbm.at[cid, pl.ds(c * CHUNK, CHUNK), :])
                if rezero:
                    pltpu.sync_copy(rows_b, acc_sh.at[ids_v])
            return carry
        lax.fori_loop(0, pl.cdiv(row_chunks, NS), _body, 0)

    fill_rows(rows_b, 0.0)
    out_body(acc_out, rezero=True)
    plsc.subcore_barrier()

    fill_rows(rows_a, 1.0)
    def cnt_body(t, carry):
        c = wid + NW * t
        @pl.when(c < n_chunks)
        def _():
            pltpu.sync_copy(hts_hbm.at[c, 0], head_v)
            pltpu.sync_copy(rows_a, acc_sh.at[head_v], add=True)
        return carry
    lax.fori_loop(0, pl.cdiv(n_chunks, NW), cnt_body, 0)
    plsc.subcore_barrier()

    out_body(cnt_out, rezero=False)


def _make_sc_agg(channel):
    mesh = plsc.VectorSubcoreMesh(core_axis_name="c", subcore_axis_name="s",
                                  num_cores=NC, num_subcores=NS)
    return pl.kernel(
        _sc_agg_body,
        out_type=[jax.ShapeDtypeStruct((NC, ROWPAD, channel), jnp.float32),
                  jax.ShapeDtypeStruct((NC, ROWPAD, channel), jnp.float32)],
        mesh=mesh,
        scratch_types=[
            pltpu.VMEM_SHARED((ROWPAD, channel), jnp.float32),
            pltpu.VMEM_SHARED((16, channel), jnp.float32),
            pltpu.VMEM((3, CHUNK), jnp.int32),
            pltpu.VMEM((3, CHUNK), jnp.int32),
            pltpu.VMEM((CHUNK,), jnp.int32),
            pltpu.VMEM((CHUNK,), jnp.int32),
            pltpu.VMEM((CHUNK, channel), jnp.float32),
            pltpu.VMEM((CHUNK, channel), jnp.float32),
            pltpu.VMEM((CHUNK, channel), jnp.float32),
            pltpu.VMEM((CHUNK, channel), jnp.float32),
            pltpu.SemaphoreType.DMA,
            pltpu.SemaphoreType.DMA,
            pltpu.SemaphoreType.DMA,
            pltpu.SemaphoreType.DMA,
        ],
    )


def _user_body(u_ref, lat_ref, im_ref, ent_ref, w_ref, dwa_ref, out_ref):
    u = u_ref[...]
    score_ = lax.dot_general(u, lat_ref[...], (((1,), (1,)), ((), ())),
                             preferred_element_type=jnp.float32)
    score = jax.nn.softmax(score_, axis=-1)
    dw = jnp.dot(jax.nn.softmax(dwa_ref[...], axis=-1), w_ref[...],
                 preferred_element_type=jnp.float32)
    coeff = jnp.dot(score, dw, preferred_element_type=jnp.float32)
    ua = jnp.dot(im_ref[...], ent_ref[...],
                 preferred_element_type=jnp.float32)
    out_ref[...] = ua * coeff + ua


def _user_call(user_emb, latent_emb, interact_mat, entity_emb, weight, dwa):
    n_users, channel = user_emb.shape
    n_entities = entity_emb.shape[0]
    n_factors, n_rel = dwa.shape
    ub = 128
    grid = (n_users // ub,)
    return pl.pallas_call(
        _user_body,
        grid=grid,
        in_specs=[
            pl.BlockSpec((ub, channel), lambda i: (i, 0)),
            pl.BlockSpec((n_factors, channel), lambda i: (0, 0)),
            pl.BlockSpec((ub, n_entities), lambda i: (i, 0)),
            pl.BlockSpec((n_entities, channel), lambda i: (0, 0)),
            pl.BlockSpec((n_rel, channel), lambda i: (0, 0)),
            pl.BlockSpec((n_factors, n_rel), lambda i: (0, 0)),
        ],
        out_specs=pl.BlockSpec((ub, channel), lambda i: (i, 0)),
        out_shape=jax.ShapeDtypeStruct((n_users, channel), jnp.float32),
    )(user_emb, latent_emb, interact_mat, entity_emb, weight, dwa)


def _combine_body(a0_ref, a1_ref, c0_ref, c1_ref, o_ref):
    div = jnp.maximum(c0_ref[...] + c1_ref[...], 1.0)
    o_ref[...] = (a0_ref[...] + a1_ref[...]) / div


def _combine_call(a0, a1, c0, c1):
    rows, channel = a0.shape
    rb = rows // 8
    grid = (8,)
    spec = pl.BlockSpec((rb, channel), lambda i: (i, 0))
    return pl.pallas_call(
        _combine_body,
        grid=grid,
        in_specs=[spec, spec, spec, spec],
        out_specs=spec,
        out_shape=jax.ShapeDtypeStruct((rows, channel), jnp.float32),
    )(a0, a1, c0, c1)


def kernel(entity_emb, user_emb, latent_emb, edge_index, edge_type,
           interact_mat, weight, disen_weight_att):
    n_entities, channel = entity_emb.shape
    n_edges = edge_index.shape[1]
    hts = jnp.stack(
        [edge_index[0].reshape(n_edges // CHUNK, CHUNK),
         edge_index[1].reshape(n_edges // CHUNK, CHUNK),
         (edge_type - 1).reshape(n_edges // CHUNK, CHUNK)], axis=1)

    acc, cnt = _make_sc_agg(channel)(entity_emb, weight, hts)
    entity_agg = _combine_call(acc[0], acc[1], cnt[0], cnt[1])[:n_entities]
    user_agg = _user_call(user_emb, latent_emb, interact_mat, entity_emb,
                          weight, disen_weight_att)
    return entity_agg, user_agg

# --- scband reference (transcript-rebuilt; emitter-appended) ---
"""Pipeline reference for scband-aggregator-67336497267219 (READ-ONLY COPY).

The authoritative reference and input builder live on the scoring server;
editing this copy changes nothing except your own understanding.
"""

import jax, jax.numpy as jnp
import numpy as np

N_ENTITIES = 10000
N_USERS = 1024
N_FACTORS = 4
N_RELATIONS = 16
CHANNEL = 128
N_EDGES = 320000


def setup_inputs(seed: int = 0) -> dict:
    key = jax.random.key(seed)
    ks = jax.random.split(key, 8)
    entity_emb = jax.random.normal(ks[0], (N_ENTITIES, CHANNEL), dtype=jnp.float32)
    user_emb = jax.random.normal(ks[1], (N_USERS, CHANNEL), dtype=jnp.float32)
    latent_emb = jax.random.normal(ks[2], (N_FACTORS, CHANNEL), dtype=jnp.float32)
    edge_index = jax.random.randint(ks[3], (2, N_EDGES), 0, N_ENTITIES, dtype=jnp.int32)
    edge_type = jax.random.randint(ks[4], (N_EDGES,), 1, N_RELATIONS + 1, dtype=jnp.int32)
    interact_mat = jax.random.uniform(ks[5], (N_USERS, N_ENTITIES), dtype=jnp.float32)
    weight = jax.random.normal(ks[6], (N_RELATIONS, CHANNEL), dtype=jnp.float32)
    disen_weight_att = jax.random.normal(ks[7], (N_FACTORS, N_RELATIONS), dtype=jnp.float32)
    return {
        "entity_emb": entity_emb,
        "user_emb": user_emb,
        "latent_emb": latent_emb,
        "edge_index": edge_index,
        "edge_type": edge_type,
        "interact_mat": interact_mat,
        "weight": weight,
        "disen_weight_att": disen_weight_att,
    }


def _scatter_mean(src, index, dim_size):
    sums = jax.ops.segment_sum(src, index, num_segments=dim_size)
    counts = jax.ops.segment_sum(jnp.ones((src.shape[0],), src.dtype), index, num_segments=dim_size)
    return sums / jnp.maximum(counts, 1.0)[:, None]


def reference(entity_emb, user_emb, latent_emb, edge_index, edge_type, interact_mat, weight, disen_weight_att):
    n_entities = entity_emb.shape[0]
    channel = entity_emb.shape[1]
    n_users = user_emb.shape[0]
    n_factors = disen_weight_att.shape[0]
    head = edge_index[0]
    tail = edge_index[1]
    # default branch (no MATRIX_RELATION_EMB / GATED_ATT / INDEPENDENT_RELATION_EMB / PREFERENCE_EMB)
    edge_relation_emb = jnp.take(weight, edge_type - 1, axis=0)
    neigh_relation_emb = jnp.take(entity_emb, tail, axis=0) * edge_relation_emb
    entity_agg = _scatter_mean(neigh_relation_emb, head, n_entities)
    score_ = jnp.matmul(user_emb, latent_emb.T)
    score = jax.nn.softmax(score_, axis=1)[:, :, None]
    user_agg = jnp.matmul(interact_mat, entity_emb)
    disen_weight = jnp.broadcast_to(
        jnp.matmul(jax.nn.softmax(disen_weight_att, axis=-1), weight)[None, :, :],
        (n_users, n_factors, channel),
    )
    user_agg = user_agg * jnp.sum(disen_weight * score, axis=1) + user_agg
    return (entity_agg, user_agg)

if __name__ == "__main__":
    import jax
    _d = setup_inputs()
    print(jax.jit(kernel)(*tuple(_d.values())))

</pallas_src>

<mosaic_0001>
#map = affine_map<(d0, d1) -> (0, 0)>
#map1 = affine_map<(d0, d1) -> (0, 0, 0)>
module attributes {stable_mosaic.version = 14 : i64} {
  func.func @_sc_agg_body(%arg0: i32, %arg1: i32, %arg2: memref<10000x128xf32, #tpu.memory_space<hbm>>, %arg3: memref<16x128xf32, #tpu.memory_space<hbm>>, %arg4: memref<5000x3x64xi32, #tpu.memory_space<hbm>>, %arg5: memref<2x10112x128xf32, #tpu.memory_space<hbm>>, %arg6: memref<2x10112x128xf32, #tpu.memory_space<hbm>>, %arg7: memref<10112x128xf32, #tpu.memory_space<vmem_shared>>, %arg8: memref<16x128xf32, #tpu.memory_space<vmem_shared>>, %arg9: memref<3x64xi32, #tpu.memory_space<vmem>>, %arg10: memref<3x64xi32, #tpu.memory_space<vmem>>, %arg11: memref<64xi32, #tpu.memory_space<vmem>>, %arg12: memref<64xi32, #tpu.memory_space<vmem>>, %arg13: memref<64x128xf32, #tpu.memory_space<vmem>>, %arg14: memref<64x128xf32, #tpu.memory_space<vmem>>, %arg15: memref<64x128xf32, #tpu.memory_space<vmem>>, %arg16: memref<64x128xf32, #tpu.memory_space<vmem>>, %arg17: memref<!tpu.dma_semaphore, #tpu.memory_space<semaphore_mem>>, %arg18: memref<!tpu.dma_semaphore, #tpu.memory_space<semaphore_mem>>, %arg19: memref<!tpu.dma_semaphore, #tpu.memory_space<semaphore_mem>>, %arg20: memref<!tpu.dma_semaphore, #tpu.memory_space<semaphore_mem>>) attributes {dimension_semantics = [#tpu.dimension_semantics<core_parallel>, #tpu.dimension_semantics<subcore_parallel>], iteration_bounds = array<i64: 2, 16>, scalar_prefetch = 0 : i64, scratch_operands = 14 : i64, tpu.core_type = #tpu.core_type<sc_vector_subcore>, window_params = [{transform_indices = #map}, {transform_indices = #map}, {transform_indices = #map1}, {transform_indices = #map1}, {transform_indices = #map1}]} {
    %mul3A = arith.constant 2 : i32
    %mul3A_0 = arith.muli %arg1, %mul3A : i32
    %add3A = arith.addi %mul3A_0, %arg0 : i32
    %broadcast_in_dim3A = arith.constant 0.000000e+00 : f32
    %broadcast_in_dim3A_1 = vector.broadcast %broadcast_in_dim3A : f32 to vector<16xf32>
    %scan3A = arith.constant 0 : i32
    %scan3A_2 = arith.constant 0 : i32
    %scan3A_3 = arith.constant 64 : i32
    %scan3A_4 = arith.addi %scan3A_2, %scan3A_3 : i32
    %scan3A_5 = arith.constant 1 : i32
    scf.for %scan3A_62 = %scan3A_2 to %scan3A_4 step %scan3A_5  : i32 {
      %swap3A = arith.index_cast %scan3A_62 : i32 to index
      %swap3A_63 = arith.constant 0 : index
      %swap3A_64 = tpu.vector_load %arg13[%swap3A, %swap3A_63] {strides = array<i32>} : memref<64x128xf32, #tpu.memory_space<vmem>>, vector<1x16xf32>,
      %swap3A_65 = vector.shape_cast %swap3A_64 : vector<1x16xf32> to vector<16xf32>
      %swap3A_66 = vector.shape_cast %broadcast_in_dim3A_1 : vector<16xf32> to vector<1x16xf32>
      tpu.vector_store %arg13[%swap3A, %swap3A_63], %swap3A_66 {strides = array<i32>} : memref<64x128xf32, #tpu.memory_space<vmem>>, vector<1x16xf32>,
      %swap3A_67 = arith.index_cast %scan3A_62 : i32 to index
      %swap3A_68 = arith.constant 16 : index
      %swap3A_69 = tpu.vector_load %arg13[%swap3A_67, %swap3A_68] {strides = array<i32>} : memref<64x128xf32, #tpu.memory_space<vmem>>, vector<1x16xf32>,
      %swap3A_70 = vector.shape_cast %swap3A_69 : vector<1x16xf32> to vector<16xf32>
      %swap3A_71 = vector.shape_cast %broadcast_in_dim3A_1 : vector<16xf32> to vector<1x16xf32>
      tpu.vector_store %arg13[%swap3A_67, %swap3A_68], %swap3A_71 {strides = array<i32>} : memref<64x128xf32, #tpu.memory_space<vmem>>, vector<1x16xf32>,
      %swap3A_72 = arith.index_cast %scan3A_62 : i32 to index
      %swap3A_73 = arith.constant 32 : index
      %swap3A_74 = tpu.vector_load %arg13[%swap3A_72, %swap3A_73] {strides = array<i32>} : memref<64x128xf32, #tpu.memory_space<vmem>>, vector<1x16xf32>,
      %swap3A_75 = vector.shape_cast %swap3A_74 : vector<1x16xf32> to vector<16xf32>
      %swap3A_76 = vector.shape_cast %broadcast_in_dim3A_1 : vector<16xf32> to vector<1x16xf32>
      tpu.vector_store %arg13[%swap3A_72, %swap3A_73], %swap3A_76 {strides = array<i32>} : memref<64x128xf32, #tpu.memory_space<vmem>>, vector<1x16xf32>,
      %swap3A_77 = arith.index_cast %scan3A_62 : i32 to index
      %swap3A_78 = arith.constant 48 : index
      %swap3A_79 = tpu.vector_load %arg13[%swap3A_77, %swap3A_78] {strides = array<i32>} : memref<64x128xf32, #tpu.memory_space<vmem>>, vector<1x16xf32>,
      %swap3A_80 = vector.shape_cast %swap3A_79 : vector<1x16xf32> to vector<16xf32>
      %swap3A_81 = vector.shape_cast %broadcast_in_dim3A_1 : vector<16xf32> to vector<1x16xf32>
      tpu.vector_store %arg13[%swap3A_77, %swap3A_78], %swap3A_81 {strides = array<i32>} : memref<64x128xf32, #tpu.memory_space<vmem>>, vector<1x16xf32>,
      %swap3A_82 = arith.index_cast %scan3A_62 : i32 to index
      %swap3A_83 = arith.constant 64 : index
      %swap3A_84 = tpu.vector_load %arg13[%swap3A_82, %swap3A_83] {strides = array<i32>} : memref<64x128xf32, #tpu.memory_space<vmem>>, vector<1x16xf32>,
      %swap3A_85 = vector.shape_cast %swap3A_84 : vector<1x16xf32> to vector<16xf32>
      %swap3A_86 = vector.shape_cast %broadcast_in_dim3A_1 : vector<16xf32> to vector<1x16xf32>
      tpu.vector_store %arg13[%swap3A_82, %swap3A_83], %swap3A_86 {strides = array<i32>} : memref<64x128xf32, #tpu.memory_space<vmem>>, vector<1x16xf32>,
      %swap3A_87 = arith.index_cast %scan3A_62 : i32 to index
      %swap3A_88 = arith.constant 80 : index
      %swap3A_89 = tpu.vector_load %arg13[%swap3A_87, %swap3A_88] {strides = array<i32>} : memref<64x128xf32, #tpu.memory_space<vmem>>, vector<1x16xf32>,
      %swap3A_90 = vector.shape_cast %swap3A_89 : vector<1x16xf32> to vector<16xf32>
      %swap3A_91 = vector.shape_cast %broadcast_in_dim3A_1 : vector<16xf32> to vector<1x16xf32>
      tpu.vector_store %arg13[%swap3A_87, %swap3A_88], %swap3A_91 {strides = array<i32>} : memref<64x128xf32, #tpu.memory_space<vmem>>, vector<1x16xf32>,
      %swap3A_92 = arith.index_cast %scan3A_62 : i32 to index
      %swap3A_93 = arith.constant 96 : index
      %swap3A_94 = tpu.vector_load %arg13[%swap3A_92, %swap3A_93] {strides = array<i32>} : memref<64x128xf32, #tpu.memory_space<vmem>>, vector<1x16xf32>,
      %swap3A_95 = vector.shape_cast %swap3A_94 : vector<1x16xf32> to vector<16xf32>
      %swap3A_96 = vector.shape_cast %broadcast_in_dim3A_1 : vector<16xf32> to vector<1x16xf32>
      tpu.vector_store %arg13[%swap3A_92, %swap3A_93], %swap3A_96 {strides = array<i32>} : memref<64x128xf32, #tpu.memory_space<vmem>>, vector<1x16xf32>,
      %swap3A_97 = arith.index_cast %scan3A_62 : i32 to index
      %swap3A_98 = arith.constant 112 : index
      %swap3A_99 = tpu.vector_load %arg13[%swap3A_97, %swap3A_98] {strides = array<i32>} : memref<64x128xf32, #tpu.memory_space<vmem>>, vector<1x16xf32>,
      %swap3A_100 = vector.shape_cast %swap3A_99 : vector<1x16xf32> to vector<16xf32>
      %swap3A_101 = vector.shape_cast %broadcast_in_dim3A_1 : vector<16xf32> to vector<1x16xf32>
      tpu.vector_store %arg13[%swap3A_97, %swap3A_98], %swap3A_101 {strides = array<i32>} : memref<64x128xf32, #tpu.memory_space<vmem>>, vector<1x16xf32>,
    }
    %scan3A_6 = arith.constant 64 : i32
    %scan3A_7 = arith.constant 0 : i32
    %scan3A_8 = arith.constant 0 : i32
    %scan3A_9 = arith.constant 10 : i32
    %scan3A_10 = arith.addi %scan3A_8, %scan3A_9 : i32
    %scan3A_11 = arith.constant 1 : i32
    scf.for %scan3A_62 = %scan3A_8 to %scan3A_10 step %scan3A_11  : i32 {
      %mul3A_63 = arith.constant 16 : i32
      %mul3A_64 = arith.muli %mul3A_63, %scan3A_62 : i32
      %add3A_65 = arith.addi %arg1, %mul3A_64 : i32
      %lt3A_66 = arith.constant 158 : i32
      %lt3A_67 = arith.cmpi slt, %add3A_65, %lt3A_66 : i32
      %convert_element_type3A_68 = arith.extui %lt3A_67 : i1 to i32
      %cond3A_69 = arith.constant 0 : i32
      %cond3A_70 = arith.cmpi ne, %convert_element_type3A_68, %cond3A_69 : i32
      scf.if %cond3A_70 {
        %mul3A_71 = arith.constant 64 : i32
        %mul3A_72 = arith.muli %add3A_65, %mul3A_71 : i32
        %iota3A = tpu.iota {dimensions = array<i32: 0>} : vector<16xi32>
        %add3A_73 = arith.constant 0 : i32
        %add3A_74 = arith.addi %mul3A_72, %add3A_73 : i32
        %add3A_75 = vector.broadcast %add3A_74 : i32 to vector<16xi32>
        %add3A_76 = arith.addi %iota3A, %add3A_75 : vector<16xi32>
        %swap3A = arith.constant 0 : index
        %swap3A_77 = tpu.vector_load %arg12[%swap3A] {strides = array<i32>} : memref<64xi32, #tpu.memory_space<vmem>>, vector<16xi32>,
        %swap3A_78 = vector.shape_cast %swap3A_77 : vector<16xi32> to vector<16xi32>
        %swap3A_79 = vector.shape_cast %add3A_76 : vector<16xi32> to vector<16xi32>
        tpu.vector_store %arg12[%swap3A], %swap3A_79 {strides = array<i32>} : memref<64xi32, #tpu.memory_space<vmem>>, vector<16xi32>,
        %iota3A_80 = tpu.iota {dimensions = array<i32: 0>} : vector<16xi32>
        %add3A_81 = arith.constant 16 : i32
        %add3A_82 = arith.addi %mul3A_72, %add3A_81 : i32
        %add3A_83 = vector.broadcast %add3A_82 : i32 to vector<16xi32>
        %add3A_84 = arith.addi %iota3A_80, %add3A_83 : vector<16xi32>
        %swap3A_85 = arith.constant 16 : index
        %swap3A_86 = tpu.vector_load %arg12[%swap3A_85] {strides = array<i32>} : memref<64xi32, #tpu.memory_space<vmem>>, vector<16xi32>,
        %swap3A_87 = vector.shape_cast %swap3A_86 : vector<16xi32> to vector<16xi32>
        %swap3A_88 = vector.shape_cast %add3A_84 : vector<16xi32> to vector<16xi32>
        tpu.vector_store %arg12[%swap3A_85], %swap3A_88 {strides = array<i32>} : memref<64xi32, #tpu.memory_space<vmem>>, vector<16xi32>,
        %iota3A_89 = tpu.iota {dimensions = array<i32: 0>} : vector<16xi32>
        %add3A_90 = arith.constant 32 : i32
        %add3A_91 = arith.addi %mul3A_72, %add3A_90 : i32
        %add3A_92 = vector.broadcast %add3A_91 : i32 to vector<16xi32>
        %add3A_93 = arith.addi %iota3A_89, %add3A_92 : vector<16xi32>
        %swap3A_94 = arith.constant 32 : index
        %swap3A_95 = tpu.vector_load %arg12[%swap3A_94] {strides = array<i32>} : memref<64xi32, #tpu.memory_space<vmem>>, vector<16xi32>,
        %swap3A_96 = vector.shape_cast %swap3A_95 : vector<16xi32> to vector<16xi32>
        %swap3A_97 = vector.shape_cast %add3A_93 : vector<16xi32> to vector<16xi32>
        tpu.vector_store %arg12[%swap3A_94], %swap3A_97 {strides = array<i32>} : memref<64xi32, #tpu.memory_space<vmem>>, vector<16xi32>,
        %iota3A_98 = tpu.iota {dimensions = array<i32: 0>} : vector<16xi32>
        %add3A_99 = arith.constant 48 : i32
        %add3A_100 = arith.addi %mul3A_72, %add3A_99 : i32
        %add3A_101 = vector.broadcast %add3A_100 : i32 to vector<16xi32>
        %add3A_102 = arith.addi %iota3A_98, %add3A_101 : vector<16xi32>
        %swap3A_103 = arith.constant 48 : index
        %swap3A_104 = tpu.vector_load %arg12[%swap3A_103] {strides = array<i32>} : memref<64xi32, #tpu.memory_space<vmem>>, vector<16xi32>,
        %swap3A_105 = vector.shape_cast %swap3A_104 : vector<16xi32> to vector<16xi32>
        %swap3A_106 = vector.shape_cast %add3A_102 : vector<16xi32> to vector<16xi32>
        tpu.vector_store %arg12[%swap3A_103], %swap3A_106 {strides = array<i32>} : memref<64xi32, #tpu.memory_space<vmem>>, vector<16xi32>,
        "tpu.region"() ({
          %run_scoped3A = tpu.sem_alloc : memref<!tpu.dma_semaphore, #tpu.memory_space<semaphore_mem>>
          %dma_start3A = arith.constant 0 : i32
          %dma_start3A_107 = arith.constant 0 : i32
          %dma_start3A_108 = tpu.memref_slice %arg7[%dma_start3A, %dma_start3A_107] : memref<10112x128xf32, #tpu.memory_space<vmem_shared>> -> memref<10112x128xf32, #tpu.memory_space<vmem_shared>>
          tpu.enqueue_indirect_dma source(%arg13 : memref<64x128xf32, #tpu.memory_space<vmem>>) target(%dma_start3A_108 : memref<10112x128xf32, #tpu.memory_space<vmem_shared>>) offsets(%arg12 : memref<64xi32, #tpu.memory_space<vmem>>) semaphore(%run_scoped3A : memref<!tpu.dma_semaphore, #tpu.memory_space<semaphore_mem>>)
          %dma_wait3A = arith.constant 0 : i32
          %dma_wait3A_109 = arith.constant 0 : i32
          %dma_wait3A_110 = tpu.memref_slice %arg7[%dma_wait3A, %dma_wait3A_109] : memref<10112x128xf32, #tpu.memory_space<vmem_shared>> -> memref<10112x128xf32, #tpu.memory_space<vmem_shared>>
          tpu.wait_indirect_dma semaphore(%run_scoped3A : memref<!tpu.dma_semaphore, #tpu.memory_space<semaphore_mem>>) src(%arg13 : memref<64x128xf32, #tpu.memory_space<vmem>>) dst(%dma_wait3A_110 : memref<10112x128xf32, #tpu.memory_space<vmem_shared>>)
          tpu.yield
        }) : () -> ()
      } else {
      }
    }
    %scan3A_12 = arith.constant 10 : i32
    %eq3A = arith.constant 0 : i32
    %eq3A_13 = arith.cmpi eq, %arg1, %eq3A : i32
    %convert_element_type3A = arith.extui %eq3A_13 : i1 to i32
    %cond3A = arith.constant 0 : i32
    %cond3A_14 = arith.cmpi ne, %convert_element_type3A, %cond3A : i32
    scf.if %cond3A_14 {
      "tpu.region"() ({
        %run_scoped3A = tpu.sem_alloc : memref<!tpu.dma_semaphore, #tpu.memory_space<semaphore_mem>>
        tpu.enqueue_dma source(%arg3 : memref<16x128xf32, #tpu.memory_space<hbm>>) target(%arg8 : memref<16x128xf32, #tpu.memory_space<vmem_shared>>) target_semaphore(%run_scoped3A : memref<!tpu.dma_semaphore, #tpu.memory_space<semaphore_mem>>)
        tpu.wait_dma2 semaphore(%run_scoped3A : memref<!tpu.dma_semaphore, #tpu.memory_space<semaphore_mem>>) src(%arg3 : memref<16x128xf32, #tpu.memory_space<hbm>>) dst(%arg8 : memref<16x128xf32, #tpu.memory_space<vmem_shared>>)
        tpu.yield
      }) : () -> ()
    } else {
    }
    %barrier3A = arith.constant 0 : index
    tpu.barrier barrier_id(%barrier3A)
    %lt3A = arith.constant 5000 : i32
    %lt3A_15 = arith.cmpi slt, %add3A, %lt3A : i32
    %convert_element_type3A_16 = arith.extui %lt3A_15 : i1 to i32
    %cond3A_17 = arith.constant 0 : i32
    %cond3A_18 = arith.cmpi ne, %convert_element_type3A_16, %cond3A_17 : i32
    scf.if %cond3A_18 {
      "tpu.region"() ({
        %run_scoped3A = tpu.sem_alloc : memref<!tpu.dma_semaphore, #tpu.memory_space<semaphore_mem>>
        %dma_start3A_75 = arith.constant 0 : i32
        %dma_start3A_76 = arith.constant 0 : i32
        %dma_start3A_77 = tpu.memref_slice %arg4[%add3A, %dma_start3A_75, %dma_start3A_76] : memref<5000x3x64xi32, #tpu.memory_space<hbm>> -> memref<1x3x64xi32, #tpu.memory_space<hbm>>
        %dma_start3A_78 = tpu.memref_squeeze %dma_start3A_77 : memref<1x3x64xi32, #tpu.memory_space<hbm>> -> memref<3x64xi32, #tpu.memory_space<hbm>>
        %dma_start3A_79 = arith.constant 0 : i32
        %dma_start3A_80 = arith.constant 0 : i32
        %dma_start3A_81 = tpu.memref_slice %arg4[%add3A, %dma_start3A_79, %dma_start3A_80] : memref<5000x3x64xi32, #tpu.memory_space<hbm>> -> memref<1x3x64xi32, #tpu.memory_space<hbm>>
        %dma_start3A_82 = tpu.memref_squeeze %dma_start3A_81 : memref<1x3x64xi32, #tpu.memory_space<hbm>> -> memref<3x64xi32, #tpu.memory_space<hbm>>
        tpu.enqueue_dma source(%dma_start3A_82 : memref<3x64xi32, #tpu.memory_space<hbm>>) target(%arg9 : memref<3x64xi32, #tpu.memory_space<vmem>>) target_semaphore(%run_scoped3A : memref<!tpu.dma_semaphore, #tpu.memory_space<semaphore_mem>>)
        %dma_wait3A = arith.constant 0 : i32
        %dma_wait3A_83 = arith.constant 0 : i32
        %dma_wait3A_84 = tpu.memref_slice %arg4[%add3A, %dma_wait3A, %dma_wait3A_83] : memref<5000x3x64xi32, #tpu.memory_space<hbm>> -> memref<1x3x64xi32, #tpu.memory_space<hbm>>
        %dma_wait3A_85 = tpu.memref_squeeze %dma_wait3A_84 : memref<1x3x64xi32, #tpu.memory_space<hbm>> -> memref<3x64xi32, #tpu.memory_space<hbm>>
        %dma_wait3A_86 = arith.constant 0 : i32
        %dma_wait3A_87 = arith.constant 0 : i32
        %dma_wait3A_88 = tpu.memref_slice %arg4[%add3A, %dma_wait3A_86, %dma_wait3A_87] : memref<5000x3x64xi32, #tpu.memory_space<hbm>> -> memref<1x3x64xi32, #tpu.memory_space<hbm>>
        %dma_wait3A_89 = tpu.memref_squeeze %dma_wait3A_88 : memref<1x3x64xi32, #tpu.memory_space<hbm>> -> memref<3x64xi32, #tpu.memory_space<hbm>>
        tpu.wait_dma2 semaphore(%run_scoped3A : memref<!tpu.dma_semaphore, #tpu.memory_space<semaphore_mem>>) src(%dma_wait3A_89 : memref<3x64xi32, #tpu.memory_space<hbm>>) dst(%arg9 : memref<3x64xi32, #tpu.memory_space<vmem>>)
        tpu.yield
      }) : () -> ()
      %dma_start3A = arith.constant 1 : i32
      %dma_start3A_62 = arith.constant 0 : i32
      %dma_start3A_63 = tpu.memref_slice %arg9[%dma_start3A, %dma_start3A_62] : memref<3x64xi32, #tpu.memory_space<vmem>> -> memref<1x64xi32, #tpu.memory_space<vmem>>
      %dma_start3A_64 = tpu.memref_squeeze %dma_start3A_63 : memref<1x64xi32, #tpu.memory_space<vmem>> -> memref<64xi32, #tpu.memory_space<vmem>>
      %dma_start3A_65 = arith.constant 0 : i32
      %dma_start3A_66 = arith.constant 0 : i32
      %dma_start3A_67 = tpu.memref_slice %arg2[%dma_start3A_65, %dma_start3A_66] : memref<10000x128xf32, #tpu.memory_space<hbm>> -> memref<10000x128xf32, #tpu.memory_space<hbm>>
      tpu.enqueue_indirect_dma source(%dma_start3A_67 : memref<10000x128xf32, #tpu.memory_space<hbm>>) target(%arg13 : memref<64x128xf32, #tpu.memory_space<vmem>>) offsets(%dma_start3A_64 : memref<64xi32, #tpu.memory_space<vmem>>) semaphore(%arg17 : memref<!tpu.dma_semaphore, #tpu.memory_space<semaphore_mem>>)
      %dma_start3A_68 = arith.constant 2 : i32
      %dma_start3A_69 = arith.constant 0 : i32
      %dma_start3A_70 = tpu.memref_slice %arg9[%dma_start3A_68, %dma_start3A_69] : memref<3x64xi32, #tpu.memory_space<vmem>> -> memref<1x64xi32, #tpu.memory_space<vmem>>
      %dma_start3A_71 = tpu.memref_squeeze %dma_start3A_70 : memref<1x64xi32, #tpu.memory_space<vmem>> -> memref<64xi32, #tpu.memory_space<vmem>>
      %dma_start3A_72 = arith.constant 0 : i32
      %dma_start3A_73 = arith.constant 0 : i32
      %dma_start3A_74 = tpu.memref_slice %arg8[%dma_start3A_72, %dma_start3A_73] : memref<16x128xf32, #tpu.memory_space<vmem_shared>> -> memref<16x128xf32, #tpu.memory_space<vmem_shared>>
      tpu.enqueue_indirect_dma source(%dma_start3A_74 : memref<16x128xf32, #tpu.memory_space<vmem_shared>>) target(%arg15 : memref<64x128xf32, #tpu.memory_space<vmem>>) offsets(%dma_start3A_71 : memref<64xi32, #tpu.memory_space<vmem>>) semaphore(%arg19 : memref<!tpu.dma_semaphore, #tpu.memory_space<semaphore_mem>>)
    } else {
    }
    %scan3A_19 = arith.constant 0 : i32
    %scan3A_20 = arith.constant 0 : i32
    %scan3A_21 = arith.constant 79 : i32
    %scan3A_22 = arith.addi %scan3A_20, %scan3A_21 : i32
    %scan3A_23 = arith.constant 1 : i32
    scf.for %scan3A_62 = %scan3A_20 to %scan3A_22 step %scan3A_23  : i32 {
      %mul3A_63 = arith.constant 2 : i32
      %mul3A_64 = arith.muli %mul3A_63, %scan3A_62 : i32
      %mul3A_65 = arith.constant 32 : i32
      %mul3A_66 = arith.muli %mul3A_65, %mul3A_64 : i32
      %add3A_67 = arith.addi %add3A, %mul3A_66 : i32
      %add3A_68 = arith.constant 32 : i32
      %add3A_69 = arith.addi %add3A_67, %add3A_68 : i32
      %lt3A_70 = arith.constant 5000 : i32
      %lt3A_71 = arith.cmpi slt, %add3A_69, %lt3A_70 : i32
      %convert_element_type3A_72 = arith.extui %lt3A_71 : i1 to i32
      %cond3A_73 = arith.constant 0 : i32
      %cond3A_74 = arith.cmpi ne, %convert_element_type3A_72, %cond3A_73 : i32
      scf.if %cond3A_74 {
        "tpu.region"() ({
          %run_scoped3A = tpu.sem_alloc : memref<!tpu.dma_semaphore, #tpu.memory_space<semaphore_mem>>
          %dma_start3A_112 = arith.constant 0 : i32
          %dma_start3A_113 = arith.constant 0 : i32
          %dma_start3A_114 = tpu.memref_slice %arg4[%add3A_69, %dma_start3A_112, %dma_start3A_113] : memref<5000x3x64xi32, #tpu.memory_space<hbm>> -> memref<1x3x64xi32, #tpu.memory_space<hbm>>
          %dma_start3A_115 = tpu.memref_squeeze %dma_start3A_114 : memref<1x3x64xi32, #tpu.memory_space<hbm>> -> memref<3x64xi32, #tpu.memory_space<hbm>>
          %dma_start3A_116 = arith.constant 0 : i32
          %dma_start3A_117 = arith.constant 0 : i32
          %dma_start3A_118 = tpu.memref_slice %arg4[%add3A_69, %dma_start3A_116, %dma_start3A_117] : memref<5000x3x64xi32, #tpu.memory_space<hbm>> -> memref<1x3x64xi32, #tpu.memory_space<hbm>>
          %dma_start3A_119 = tpu.memref_squeeze %dma_start3A_118 : memref<1x3x64xi32, #tpu.memory_space<hbm>> -> memref<3x64xi32, #tpu.memory_space<hbm>>
          tpu.enqueue_dma source(%dma_start3A_119 : memref<3x64xi32, #tpu.memory_space<hbm>>) target(%arg10 : memref<3x64xi32, #tpu.memory_space<vmem>>) target_semaphore(%run_scoped3A : memref<!tpu.dma_semaphore, #tpu.memory_space<semaphore_mem>>)
          %dma_wait3A = arith.constant 0 : i32
          %dma_wait3A_120 = arith.constant 0 : i32
          %dma_wait3A_121 = tpu.memref_slice %arg4[%add3A_69, %dma_wait3A, %dma_wait3A_120] : memref<5000x3x64xi32, #tpu.memory_space<hbm>> -> memref<1x3x64xi32, #tpu.memory_space<hbm>>
          %dma_wait3A_122 = tpu.memref_squeeze %dma_wait3A_121 : memref<1x3x64xi32, #tpu.memory_space<hbm>> -> memref<3x64xi32, #tpu.memory_space<hbm>>
          %dma_wait3A_123 = arith.constant 0 : i32
          %dma_wait3A_124 = arith.constant 0 : i32
          %dma_wait3A_125 = tpu.memref_slice %arg4[%add3A_69, %dma_wait3A_123, %dma_wait3A_124] : memref<5000x3x64xi32, #tpu.memory_space<hbm>> -> memref<1x3x64xi32, #tpu.memory_space<hbm>>
          %dma_wait3A_126 = tpu.memref_squeeze %dma_wait3A_125 : memref<1x3x64xi32, #tpu.memory_space<hbm>> -> memref<3x64xi32, #tpu.memory_space<hbm>>
          tpu.wait_dma2 semaphore(%run_scoped3A : memref<!tpu.dma_semaphore, #tpu.memory_space<semaphore_mem>>) src(%dma_wait3A_126 : memref<3x64xi32, #tpu.memory_space<hbm>>) dst(%arg10 : memref<3x64xi32, #tpu.memory_space<vmem>>)
          tpu.yield
        }) : () -> ()
        %dma_start3A = arith.constant 1 : i32
        %dma_start3A_99 = arith.constant 0 : i32
        %dma_start3A_100 = tpu.memref_slice %arg10[%dma_start3A, %dma_start3A_99] : memref<3x64xi32, #tpu.memory_space<vmem>> -> memref<1x64xi32, #tpu.memory_space<vmem>>
        %dma_start3A_101 = tpu.memref_squeeze %dma_start3A_100 : memref<1x64xi32, #tpu.memory_space<vmem>> -> memref<64xi32, #tpu.memory_space<vmem>>
        %dma_start3A_102 = arith.constant 0 : i32
        %dma_start3A_103 = arith.constant 0 : i32
        %dma_start3A_104 = tpu.memref_slice %arg2[%dma_start3A_102, %dma_start3A_103] : memref<10000x128xf32, #tpu.memory_space<hbm>> -> memref<10000x128xf32, #tpu.memory_space<hbm>>
        tpu.enqueue_indirect_dma source(%dma_start3A_104 : memref<10000x128xf32, #tpu.memory_space<hbm>>) target(%arg14 : memref<64x128xf32, #tpu.memory_space<vmem>>) offsets(%dma_start3A_101 : memref<64xi32, #tpu.memory_space<vmem>>) semaphore(%arg18 : memref<!tpu.dma_semaphore, #tpu.memory_space<semaphore_mem>>)
        %dma_start3A_105 = arith.constant 2 : i32
        %dma_start3A_106 = arith.constant 0 : i32
        %dma_start3A_107 = tpu.memref_slice %arg10[%dma_start3A_105, %dma_start3A_106] : memref<3x64xi32, #tpu.memory_space<vmem>> -> memref<1x64xi32, #tpu.memory_space<vmem>>
        %dma_start3A_108 = tpu.memref_squeeze %dma_start3A_107 : memref<1x64xi32, #tpu.memory_space<vmem>> -> memref<64xi32, #tpu.memory_space<vmem>>
        %dma_start3A_109 = arith.constant 0 : i32
        %dma_start3A_110 = arith.constant 0 : i32
        %dma_start3A_111 = tpu.memref_slice %arg8[%dma_start3A_109, %dma_start3A_110] : memref<16x128xf32, #tpu.memory_space<vmem_shared>> -> memref<16x128xf32, #tpu.memory_space<vmem_shared>>
        tpu.enqueue_indirect_dma source(%dma_start3A_111 : memref<16x128xf32, #tpu.memory_space<vmem_shared>>) target(%arg16 : memref<64x128xf32, #tpu.memory_space<vmem>>) offsets(%dma_start3A_108 : memref<64xi32, #tpu.memory_space<vmem>>) semaphore(%arg20 : memref<!tpu.dma_semaphore, #tpu.memory_space<semaphore_mem>>)
      } else {
      }
      %lt3A_75 = arith.constant 5000 : i32
      %lt3A_76 = arith.cmpi slt, %add3A_67, %lt3A_75 : i32
      %convert_element_type3A_77 = arith.extui %lt3A_76 : i1 to i32
      %cond3A_78 = arith.constant 0 : i32
      %cond3A_79 = arith.cmpi ne, %convert_element_type3A_77, %cond3A_78 : i32
      scf.if %cond3A_79 {
        %dma_wait3A = arith.constant 0 : i32
        %dma_wait3A_99 = arith.constant 0 : i32
        %dma_wait3A_100 = tpu.memref_slice %arg2[%dma_wait3A, %dma_wait3A_99] : memref<10000x128xf32, #tpu.memory_space<hbm>> -> memref<64x128xf32, #tpu.memory_space<hbm>>
        %dma_wait3A_101 = arith.constant 0 : i32
        %dma_wait3A_102 = arith.constant 0 : i32
        %dma_wait3A_103 = tpu.memref_slice %arg2[%dma_wait3A_101, %dma_wait3A_102] : memref<10000x128xf32, #tpu.memory_space<hbm>> -> memref<64x128xf32, #tpu.memory_space<hbm>>
        tpu.wait_dma2 semaphore(%arg17 : memref<!tpu.dma_semaphore, #tpu.memory_space<semaphore_mem>>) src(%dma_wait3A_103 : memref<64x128xf32, #tpu.memory_space<hbm>>) dst(%arg13 : memref<64x128xf32, #tpu.memory_space<vmem>>)
        %dma_wait3A_104 = arith.constant 0 : i32
        %dma_wait3A_105 = arith.constant 0 : i32
        %dma_wait3A_106 = tpu.memref_slice %arg2[%dma_wait3A_104, %dma_wait3A_105] : memref<10000x128xf32, #tpu.memory_space<hbm>> -> memref<64x128xf32, #tpu.memory_space<hbm>>
        %dma_wait3A_107 = arith.constant 0 : i32
        %dma_wait3A_108 = arith.constant 0 : i32
        %dma_wait3A_109 = tpu.memref_slice %arg2[%dma_wait3A_107, %dma_wait3A_108] : memref<10000x128xf32, #tpu.memory_space<hbm>> -> memref<64x128xf32, #tpu.memory_space<hbm>>
        tpu.wait_dma2 semaphore(%arg19 : memref<!tpu.dma_semaphore, #tpu.memory_space<semaphore_mem>>) src(%dma_wait3A_109 : memref<64x128xf32, #tpu.memory_space<hbm>>) dst(%arg15 : memref<64x128xf32, #tpu.memory_space<vmem>>)
        %scan3A_110 = arith.constant 0 : i32
        %scan3A_111 = arith.constant 0 : i32
        %scan3A_112 = arith.constant 64 : i32
        %scan3A_113 = arith.addi %scan3A_111, %scan3A_112 : i32
        %scan3A_114 = arith.constant 1 : i32
        scf.for %scan3A_116 = %scan3A_111 to %scan3A_113 step %scan3A_114  : i32 {
          %get3A = arith.index_cast %scan3A_116 : i32 to index
          %get3A_117 = arith.constant 0 : index
          %get3A_118 = tpu.vector_load %arg13[%get3A, %get3A_117] {strides = array<i32>} : memref<64x128xf32, #tpu.memory_space<vmem>>, vector<1x16xf32>,
          %get3A_119 = vector.shape_cast %get3A_118 : vector<1x16xf32> to vector<16xf32>
          %get3A_120 = arith.index_cast %scan3A_116 : i32 to index
          %get3A_121 = arith.constant 0 : index
          %get3A_122 = tpu.vector_load %arg15[%get3A_120, %get3A_121] {strides = array<i32>} : memref<64x128xf32, #tpu.memory_space<vmem>>, vector<1x16xf32>,
          %get3A_123 = vector.shape_cast %get3A_122 : vector<1x16xf32> to vector<16xf32>
          %mul3A_124 = arith.mulf %get3A_119, %get3A_123 : vector<16xf32>
          %swap3A = arith.index_cast %scan3A_116 : i32 to index
          %swap3A_125 = arith.constant 0 : index
          %swap3A_126 = tpu.vector_load %arg13[%swap3A, %swap3A_125] {strides = array<i32>} : memref<64x128xf32, #tpu.memory_space<vmem>>, vector<1x16xf32>,
          %swap3A_127 = vector.shape_cast %swap3A_126 : vector<1x16xf32> to vector<16xf32>
          %swap3A_128 = vector.shape_cast %mul3A_124 : vector<16xf32> to vector<1x16xf32>
          tpu.vector_store %arg13[%swap3A, %swap3A_125], %swap3A_128 {strides = array<i32>} : memref<64x128xf32, #tpu.memory_space<vmem>>, vector<1x16xf32>,
          %get3A_129 = arith.index_cast %scan3A_116 : i32 to index
          %get3A_130 = arith.constant 16 : index
          %get3A_131 = tpu.vector_load %arg13[%get3A_129, %get3A_130] {strides = array<i32>} : memref<64x128xf32, #tpu.memory_space<vmem>>, vector<1x16xf32>,
          %get3A_132 = vector.shape_cast %get3A_131 : vector<1x16xf32> to vector<16xf32>
          %get3A_133 = arith.index_cast %scan3A_116 : i32 to index
          %get3A_134 = arith.constant 16 : index
          %get3A_135 = tpu.vector_load %arg15[%get3A_133, %get3A_134] {strides = array<i32>} : memref<64x128xf32, #tpu.memory_space<vmem>>, vector<1x16xf32>,
          %get3A_136 = vector.shape_cast %get3A_135 : vector<1x16xf32> to vector<16xf32>
          %mul3A_137 = arith.mulf %get3A_132, %get3A_136 : vector<16xf32>
          %swap3A_138 = arith.index_cast %scan3A_116 : i32 to index
          %swap3A_139 = arith.constant 16 : index
          %swap3A_140 = tpu.vector_load %arg13[%swap3A_138, %swap3A_139] {strides = array<i32>} : memref<64x128xf32, #tpu.memory_space<vmem>>, vector<1x16xf32>,
          %swap3A_141 = vector.shape_cast %swap3A_140 : vector<1x16xf32> to vector<16xf32>
          %swap3A_142 = vector.shape_cast %mul3A_137 : vector<16xf32> to vector<1x16xf32>
          tpu.vector_store %arg13[%swap3A_138, %swap3A_139], %swap3A_142 {strides = array<i32>} : memref<64x128xf32, #tpu.memory_space<vmem>>, vector<1x16xf32>,
          %get3A_143 = arith.index_cast %scan3A_116 : i32 to index
          %get3A_144 = arith.constant 32 : index
          %get3A_145 = tpu.vector_load %arg13[%get3A_143, %get3A_144] {strides = array<i32>} : memref<64x128xf32, #tpu.memory_space<vmem>>, vector<1x16xf32>,
          %get3A_146 = vector.shape_cast %get3A_145 : vector<1x16xf32> to vector<16xf32>
          %get3A_147 = arith.index_cast %scan3A_116 : i32 to index
          %get3A_148 = arith.constant 32 : index
          %get3A_149 = tpu.vector_load %arg15[%get3A_147, %get3A_148] {strides = array<i32>} : memref<64x128xf32, #tpu.memory_space<vmem>>, vector<1x16xf32>,
          %get3A_150 = vector.shape_cast %get3A_149 : vector<1x16xf32> to vector<16xf32>
          %mul3A_151 = arith.mulf %get3A_146, %get3A_150 : vector<16xf32>
          %swap3A_152 = arith.index_cast %scan3A_116 : i32 to index
          %swap3A_153 = arith.constant 32 : index
          %swap3A_154 = tpu.vector_load %arg13[%swap3A_152, %swap3A_153] {strides = array<i32>} : memref<64x128xf32, #tpu.memory_space<vmem>>, vector<1x16xf32>,
          %swap3A_155 = vector.shape_cast %swap3A_154 : vector<1x16xf32> to vector<16xf32>
          %swap3A_156 = vector.shape_cast %mul3A_151 : vector<16xf32> to vector<1x16xf32>
          tpu.vector_store %arg13[%swap3A_152, %swap3A_153], %swap3A_156 {strides = array<i32>} : memref<64x128xf32, #tpu.memory_space<vmem>>, vector<1x16xf32>,
          %get3A_157 = arith.index_cast %scan3A_116 : i32 to index
          %get3A_158 = arith.constant 48 : index
          %get3A_159 = tpu.vector_load %arg13[%get3A_157, %get3A_158] {strides = array<i32>} : memref<64x128xf32, #tpu.memory_space<vmem>>, vector<1x16xf32>,
          %get3A_160 = vector.shape_cast %get3A_159 : vector<1x16xf32> to vector<16xf32>
          %get3A_161 = arith.index_cast %scan3A_116 : i32 to index
          %get3A_162 = arith.constant 48 : index
          %get3A_163 = tpu.vector_load %arg15[%get3A_161, %get3A_162] {strides = array<i32>} : memref<64x128xf32, #tpu.memory_space<vmem>>, vector<1x16xf32>,
          %get3A_164 = vector.shape_cast %get3A_163 : vector<1x16xf32> to vector<16xf32>
          %mul3A_165 = arith.mulf %get3A_160, %get3A_164 : vector<16xf32>
          %swap3A_166 = arith.index_cast %scan3A_116 : i32 to index
          %swap3A_167 = arith.constant 48 : index
          %swap3A_168 = tpu.vector_load %arg13[%swap3A_166, %swap3A_167] {strides = array<i32>} : memref<64x128xf32, #tpu.memory_space<vmem>>, vector<1x16xf32>,
          %swap3A_169 = vector.shape_cast %swap3A_168 : vector<1x16xf32> to vector<16xf32>
          %swap3A_170 = vector.shape_cast %mul3A_165 : vector<16xf32> to vector<1x16xf32>
          tpu.vector_store %arg13[%swap3A_166, %swap3A_167], %swap3A_170 {strides = array<i32>} : memref<64x128xf32, #tpu.memory_space<vmem>>, vector<1x16xf32>,
          %get3A_171 = arith.index_cast %scan3A_116 : i32 to index
          %get3A_172 = arith.constant 64 : index
          %get3A_173 = tpu.vector_load %arg13[%get3A_171, %get3A_172] {strides = array<i32>} : memref<64x128xf32, #tpu.memory_space<vmem>>, vector<1x16xf32>,
          %get3A_174 = vector.shape_cast %get3A_173 : vector<1x16xf32> to vector<16xf32>
          %get3A_175 = arith.index_cast %scan3A_116 : i32 to index
          %get3A_176 = arith.constant 64 : index
          %get3A_177 = tpu.vector_load %arg15[%get3A_175, %get3A_176] {strides = array<i32>} : memref<64x128xf32, #tpu.memory_space<vmem>>, vector<1x16xf32>,
          %get3A_178 = vector.shape_cast %get3A_177 : vector<1x16xf32> to vector<16xf32>
          %mul3A_179 = arith.mulf %get3A_174, %get3A_178 : vector<16xf32>
          %swap3A_180 = arith.index_cast %scan3A_116 : i32 to index
          %swap3A_181 = arith.constant 64 : index
          %swap3A_182 = tpu.vector_load %arg13[%swap3A_180, %swap3A_181] {strides = array<i32>} : memref<64x128xf32, #tpu.memory_space<vmem>>, vector<1x16xf32>,
          %swap3A_183 = vector.shape_cast %swap3A_182 : vector<1x16xf32> to vector<16xf32>
          %swap3A_184 = vector.shape_cast %mul3A_179 : vector<16xf32> to vector<1x16xf32>
          tpu.vector_store %arg13[%swap3A_180, %swap3A_181], %swap3A_184 {strides = array<i32>} : memref<64x128xf32, #tpu.memory_space<vmem>>, vector<1x16xf32>,
          %get3A_185 = arith.index_cast %scan3A_116 : i32 to index
          %get3A_186 = arith.constant 80 : index
          %get3A_187 = tpu.vector_load %arg13[%get3A_185, %get3A_186] {strides = array<i32>} : memref<64x128xf32, #tpu.memory_space<vmem>>, vector<1x16xf32>,
          %get3A_188 = vector.shape_cast %get3A_187 : vector<1x16xf32> to vector<16xf32>
          %get3A_189 = arith.index_cast %scan3A_116 : i32 to index
          %get3A_190 = arith.constant 80 : index
          %get3A_191 = tpu.vector_load %arg15[%get3A_189, %get3A_190] {strides = array<i32>} : memref<64x128xf32, #tpu.memory_space<vmem>>, vector<1x16xf32>,
          %get3A_192 = vector.shape_cast %get3A_191 : vector<1x16xf32> to vector<16xf32>
          %mul3A_193 = arith.mulf %get3A_188, %get3A_192 : vector<16xf32>
          %swap3A_194 = arith.index_cast %scan3A_116 : i32 to index
          %swap3A_195 = arith.constant 80 : index
          %swap3A_196 = tpu.vector_load %arg13[%swap3A_194, %swap3A_195] {strides = array<i32>} : memref<64x128xf32, #tpu.memory_space<vmem>>, vector<1x16xf32>,
          %swap3A_197 = vector.shape_cast %swap3A_196 : vector<1x16xf32> to vector<16xf32>
          %swap3A_198 = vector.shape_cast %mul3A_193 : vector<16xf32> to vector<1x16xf32>
          tpu.vector_store %arg13[%swap3A_194, %swap3A_195], %swap3A_198 {strides = array<i32>} : memref<64x128xf32, #tpu.memory_space<vmem>>, vector<1x16xf32>,
          %get3A_199 = arith.index_cast %scan3A_116 : i32 to index
          %get3A_200 = arith.constant 96 : index
          %get3A_201 = tpu.vector_load %arg13[%get3A_199, %get3A_200] {strides = array<i32>} : memref<64x128xf32, #tpu.memory_space<vmem>>, vector<1x16xf32>,
          %get3A_202 = vector.shape_cast %get3A_201 : vector<1x16xf32> to vector<16xf32>
          %get3A_203 = arith.index_cast %scan3A_116 : i32 to index
          %get3A_204 = arith.constant 96 : index
          %get3A_205 = tpu.vector_load %arg15[%get3A_203, %get3A_204] {strides = array<i32>} : memref<64x128xf32, #tpu.memory_space<vmem>>, vector<1x16xf32>,
          %get3A_206 = vector.shape_cast %get3A_205 : vector<1x16xf32> to vector<16xf32>
          %mul3A_207 = arith.mulf %get3A_202, %get3A_206 : vector<16xf32>
          %swap3A_208 = arith.index_cast %scan3A_116 : i32 to index
          %swap3A_209 = arith.constant 96 : index
          %swap3A_210 = tpu.vector_load %arg13[%swap3A_208, %swap3A_209] {strides = array<i32>} : memref<64x128xf32, #tpu.memory_space<vmem>>, vector<1x16xf32>,
          %swap3A_211 = vector.shape_cast %swap3A_210 : vector<1x16xf32> to vector<16xf32>
          %swap3A_212 = vector.shape_cast %mul3A_207 : vector<16xf32> to vector<1x16xf32>
          tpu.vector_store %arg13[%swap3A_208, %swap3A_209], %swap3A_212 {strides = array<i32>} : memref<64x128xf32, #tpu.memory_space<vmem>>, vector<1x16xf32>,
          %get3A_213 = arith.index_cast %scan3A_116 : i32 to index
          %get3A_214 = arith.constant 112 : index
          %get3A_215 = tpu.vector_load %arg13[%get3A_213, %get3A_214] {strides = array<i32>} : memref<64x128xf32, #tpu.memory_space<vmem>>, vector<1x16xf32>,
          %get3A_216 = vector.shape_cast %get3A_215 : vector<1x16xf32> to vector<16xf32>
          %get3A_217 = arith.index_cast %scan3A_116 : i32 to index
          %get3A_218 = arith.constant 112 : index
          %get3A_219 = tpu.vector_load %arg15[%get3A_217, %get3A_218] {strides = array<i32>} : memref<64x128xf32, #tpu.memory_space<vmem>>, vector<1x16xf32>,
          %get3A_220 = vector.shape_cast %get3A_219 : vector<1x16xf32> to vector<16xf32>
          %mul3A_221 = arith.mulf %get3A_216, %get3A_220 : vector<16xf32>
          %swap3A_222 = arith.index_cast %scan3A_116 : i32 to index
          %swap3A_223 = arith.constant 112 : index
          %swap3A_224 = tpu.vector_load %arg13[%swap3A_222, %swap3A_223] {strides = array<i32>} : memref<64x128xf32, #tpu.memory_space<vmem>>, vector<1x16xf32>,
          %swap3A_225 = vector.shape_cast %swap3A_224 : vector<1x16xf32> to vector<16xf32>
          %swap3A_226 = vector.shape_cast %mul3A_221 : vector<16xf32> to vector<1x16xf32>
          tpu.vector_store %arg13[%swap3A_222, %swap3A_223], %swap3A_226 {strides = array<i32>} : memref<64x128xf32, #tpu.memory_space<vmem>>, vector<1x16xf32>,
        }
        %scan3A_115 = arith.constant 64 : i32
        %run_scoped3A = arith.constant 0 : i32
        "tpu.region"() ({
          %run_scoped3A_116 = tpu.sem_alloc : memref<!tpu.dma_semaphore, #tpu.memory_space<semaphore_mem>>
          %dma_start3A = arith.constant 0 : i32
          %dma_start3A_117 = tpu.memref_slice %arg9[%run_scoped3A, %dma_start3A] : memref<3x64xi32, #tpu.memory_space<vmem>> -> memref<1x64xi32, #tpu.memory_space<vmem>>
          %dma_start3A_118 = tpu.memref_squeeze %dma_start3A_117 : memref<1x64xi32, #tpu.memory_space<vmem>> -> memref<64xi32, #tpu.memory_space<vmem>>
          %dma_start3A_119 = arith.constant 0 : i32
          %dma_start3A_120 = arith.constant 0 : i32
          %dma_start3A_121 = tpu.memref_slice %arg7[%dma_start3A_119, %dma_start3A_120] : memref<10112x128xf32, #tpu.memory_space<vmem_shared>> -> memref<10112x128xf32, #tpu.memory_space<vmem_shared>>
          tpu.enqueue_indirect_dma source(%arg13 : memref<64x128xf32, #tpu.memory_space<vmem>>) target(%dma_start3A_121 : memref<10112x128xf32, #tpu.memory_space<vmem_shared>>) offsets(%dma_start3A_118 : memref<64xi32, #tpu.memory_space<vmem>>) semaphore(%run_scoped3A_116 : memref<!tpu.dma_semaphore, #tpu.memory_space<semaphore_mem>>) {add = true}
          %dma_wait3A_122 = arith.constant 0 : i32
          %dma_wait3A_123 = tpu.memref_slice %arg9[%run_scoped3A, %dma_wait3A_122] : memref<3x64xi32, #tpu.memory_space<vmem>> -> memref<1x64xi32, #tpu.memory_space<vmem>>
          %dma_wait3A_124 = tpu.memref_squeeze %dma_wait3A_123 : memref<1x64xi32, #tpu.memory_space<vmem>> -> memref<64xi32, #tpu.memory_space<vmem>>
          %dma_wait3A_125 = arith.constant 0 : i32
          %dma_wait3A_126 = arith.constant 0 : i32
          %dma_wait3A_127 = tpu.memref_slice %arg7[%dma_wait3A_125, %dma_wait3A_126] : memref<10112x128xf32, #tpu.memory_space<vmem_shared>> -> memref<10112x128xf32, #tpu.memory_space<vmem_shared>>
          tpu.wait_indirect_dma semaphore(%run_scoped3A_116 : memref<!tpu.dma_semaphore, #tpu.memory_space<semaphore_mem>>) src(%arg13 : memref<64x128xf32, #tpu.memory_space<vmem>>) dst(%dma_wait3A_127 : memref<10112x128xf32, #tpu.memory_space<vmem_shared>>)
          tpu.yield
        }) : () -> ()
      } else {
      }
      %mul3A_80 = arith.constant 2 : i32
      %mul3A_81 = arith.muli %mul3A_80, %scan3A_62 : i32
      %add3A_82 = arith.constant 1 : i32
      %add3A_83 = arith.addi %mul3A_81, %add3A_82 : i32
      %mul3A_84 = arith.constant 32 : i32
      %mul3A_85 = arith.muli %mul3A_84, %add3A_83 : i32
      %add3A_86 = arith.addi %add3A, %mul3A_85 : i32
      %add3A_87 = arith.constant 32 : i32
      %add3A_88 = arith.addi %add3A_86, %add3A_87 : i32
      %lt3A_89 = arith.constant 5000 : i32
      %lt3A_90 = arith.cmpi slt, %add3A_88, %lt3A_89 : i32
      %convert_element_type3A_91 = arith.extui %lt3A_90 : i1 to i32
      %cond3A_92 = arith.constant 0 : i32
      %cond3A_93 = arith.cmpi ne, %convert_element_type3A_91, %cond3A_92 : i32
      scf.if %cond3A_93 {
        "tpu.region"() ({
          %run_scoped3A = tpu.sem_alloc : memref<!tpu.dma_semaphore, #tpu.memory_space<semaphore_mem>>
          %dma_start3A_112 = arith.constant 0 : i32
          %dma_start3A_113 = arith.constant 0 : i32
          %dma_start3A_114 = tpu.memref_slice %arg4[%add3A_88, %dma_start3A_112, %dma_start3A_113] : memref<5000x3x64xi32, #tpu.memory_space<hbm>> -> memref<1x3x64xi32, #tpu.memory_space<hbm>>
          %dma_start3A_115 = tpu.memref_squeeze %dma_start3A_114 : memref<1x3x64xi32, #tpu.memory_space<hbm>> -> memref<3x64xi32, #tpu.memory_space<hbm>>
          %dma_start3A_116 = arith.constant 0 : i32
          %dma_start3A_117 = arith.constant 0 : i32
          %dma_start3A_118 = tpu.memref_slice %arg4[%add3A_88, %dma_start3A_116, %dma_start3A_117] : memref<5000x3x64xi32, #tpu.memory_space<hbm>> -> memref<1x3x64xi32, #tpu.memory_space<hbm>>
          %dma_start3A_119 = tpu.memref_squeeze %dma_start3A_118 : memref<1x3x64xi32, #tpu.memory_space<hbm>> -> memref<3x64xi32, #tpu.memory_space<hbm>>
          tpu.enqueue_dma source(%dma_start3A_119 : memref<3x64xi32, #tpu.memory_space<hbm>>) target(%arg9 : memref<3x64xi32, #tpu.memory_space<vmem>>) target_semaphore(%run_scoped3A : memref<!tpu.dma_semaphore, #tpu.memory_space<semaphore_mem>>)
          %dma_wait3A = arith.constant 0 : i32
          %dma_wait3A_120 = arith.constant 0 : i32
          %dma_wait3A_121 = tpu.memref_slice %arg4[%add3A_88, %dma_wait3A, %dma_wait3A_120] : memref<5000x3x64xi32, #tpu.memory_space<hbm>> -> memref<1x3x64xi32, #tpu.memory_space<hbm>>
          %dma_wait3A_122 = tpu.memref_squeeze %dma_wait3A_121 : memref<1x3x64xi32, #tpu.memory_space<hbm>> -> memref<3x64xi32, #tpu.memory_space<hbm>>
          %dma_wait3A_123 = arith.constant 0 : i32
          %dma_wait3A_124 = arith.constant 0 : i32
          %dma_wait3A_125 = tpu.memref_slice %arg4[%add3A_88, %dma_wait3A_123, %dma_wait3A_124] : memref<5000x3x64xi32, #tpu.memory_space<hbm>> -> memref<1x3x64xi32, #tpu.memory_space<hbm>>
          %dma_wait3A_126 = tpu.memref_squeeze %dma_wait3A_125 : memref<1x3x64xi32, #tpu.memory_space<hbm>> -> memref<3x64xi32, #tpu.memory_space<hbm>>
          tpu.wait_dma2 semaphore(%run_scoped3A : memref<!tpu.dma_semaphore, #tpu.memory_space<semaphore_mem>>) src(%dma_wait3A_126 : memref<3x64xi32, #tpu.memory_space<hbm>>) dst(%arg9 : memref<3x64xi32, #tpu.memory_space<vmem>>)
          tpu.yield
        }) : () -> ()
        %dma_start3A = arith.constant 1 : i32
        %dma_start3A_99 = arith.constant 0 : i32
        %dma_start3A_100 = tpu.memref_slice %arg9[%dma_start3A, %dma_start3A_99] : memref<3x64xi32, #tpu.memory_space<vmem>> -> memref<1x64xi32, #tpu.memory_space<vmem>>
        %dma_start3A_101 = tpu.memref_squeeze %dma_start3A_100 : memref<1x64xi32, #tpu.memory_space<vmem>> -> memref<64xi32, #tpu.memory_space<vmem>>
        %dma_start3A_102 = arith.constant 0 : i32
        %dma_start3A_103 = arith.constant 0 : i32
        %dma_start3A_104 = tpu.memref_slice %arg2[%dma_start3A_102, %dma_start3A_103] : memref<10000x128xf32, #tpu.memory_space<hbm>> -> memref<10000x128xf32, #tpu.memory_space<hbm>>
        tpu.enqueue_indirect_dma source(%dma_start3A_104 : memref<10000x128xf32, #tpu.memory_space<hbm>>) target(%arg13 : memref<64x128xf32, #tpu.memory_space<vmem>>) offsets(%dma_start3A_101 : memref<64xi32, #tpu.memory_space<vmem>>) semaphore(%arg17 : memref<!tpu.dma_semaphore, #tpu.memory_space<semaphore_mem>>)
        %dma_start3A_105 = arith.constant 2 : i32
        %dma_start3A_106 = arith.constant 0 : i32
        %dma_start3A_107 = tpu.memref_slice %arg9[%dma_start3A_105, %dma_start3A_106] : memref<3x64xi32, #tpu.memory_space<vmem>> -> memref<1x64xi32, #tpu.memory_space<vmem>>
        %dma_start3A_108 = tpu.memref_squeeze %dma_start3A_107 : memref<1x64xi32, #tpu.memory_space<vmem>> -> memref<64xi32, #tpu.memory_space<vmem>>
        %dma_start3A_109 = arith.constant 0 : i32
        %dma_start3A_110 = arith.constant 0 : i32
        %dma_start3A_111 = tpu.memref_slice %arg8[%dma_start3A_109, %dma_start3A_110] : memref<16x128xf32, #tpu.memory_space<vmem_shared>> -> memref<16x128xf32, #tpu.memory_space<vmem_shared>>
        tpu.enqueue_indirect_dma source(%dma_start3A_111 : memref<16x128xf32, #tpu.memory_space<vmem_shared>>) target(%arg15 : memref<64x128xf32, #tpu.memory_space<vmem>>) offsets(%dma_start3A_108 : memref<64xi32, #tpu.memory_space<vmem>>) semaphore(%arg19 : memref<!tpu.dma_semaphore, #tpu.memory_space<semaphore_mem>>)
      } else {
      }
      %lt3A_94 = arith.constant 5000 : i32
      %lt3A_95 = arith.cmpi slt, %add3A_86, %lt3A_94 : i32
      %convert_element_type3A_96 = arith.extui %lt3A_95 : i1 to i32
      %cond3A_97 = arith.constant 0 : i32
      %cond3A_98 = arith.cmpi ne, %convert_element_type3A_96, %cond3A_97 : i32
      scf.if %cond3A_98 {
        %dma_wait3A = arith.constant 0 : i32
        %dma_wait3A_99 = arith.constant 0 : i32
        %dma_wait3A_100 = tpu.memref_slice %arg2[%dma_wait3A, %dma_wait3A_99] : memref<10000x128xf32, #tpu.memory_space<hbm>> -> memref<64x128xf32, #tpu.memory_space<hbm>>
        %dma_wait3A_101 = arith.constant 0 : i32
        %dma_wait3A_102 = arith.constant 0 : i32
        %dma_wait3A_103 = tpu.memref_slice %arg2[%dma_wait3A_101, %dma_wait3A_102] : memref<10000x128xf32, #tpu.memory_space<hbm>> -> memref<64x128xf32, #tpu.memory_space<hbm>>
        tpu.wait_dma2 semaphore(%arg18 : memref<!tpu.dma_semaphore, #tpu.memory_space<semaphore_mem>>) src(%dma_wait3A_103 : memref<64x128xf32, #tpu.memory_space<hbm>>) dst(%arg14 : memref<64x128xf32, #tpu.memory_space<vmem>>)
        %dma_wait3A_104 = arith.constant 0 : i32
        %dma_wait3A_105 = arith.constant 0 : i32
        %dma_wait3A_106 = tpu.memref_slice %arg2[%dma_wait3A_104, %dma_wait3A_105] : memref<10000x128xf32, #tpu.memory_space<hbm>> -> memref<64x128xf32, #tpu.memory_space<hbm>>
        %dma_wait3A_107 = arith.constant 0 : i32
        %dma_wait3A_108 = arith.constant 0 : i32
        %dma_wait3A_109 = tpu.memref_slice %arg2[%dma_wait3A_107, %dma_wait3A_108] : memref<10000x128xf32, #tpu.memory_space<hbm>> -> memref<64x128xf32, #tpu.memory_space<hbm>>
        tpu.wait_dma2 semaphore(%arg20 : memref<!tpu.dma_semaphore, #tpu.memory_space<semaphore_mem>>) src(%dma_wait3A_109 : memref<64x128xf32, #tpu.memory_space<hbm>>) dst(%arg16 : memref<64x128xf32, #tpu.memory_space<vmem>>)
        %scan3A_110 = arith.constant 0 : i32
        %scan3A_111 = arith.constant 0 : i32
        %scan3A_112 = arith.constant 64 : i32
        %scan3A_113 = arith.addi %scan3A_111, %scan3A_112 : i32
        %scan3A_114 = arith.constant 1 : i32
        scf.for %scan3A_116 = %scan3A_111 to %scan3A_113 step %scan3A_114  : i32 {
          %get3A = arith.index_cast %scan3A_116 : i32 to index
          %get3A_117 = arith.constant 0 : index
          %get3A_118 = tpu.vector_load %arg14[%get3A, %get3A_117] {strides = array<i32>} : memref<64x128xf32, #tpu.memory_space<vmem>>, vector<1x16xf32>,
          %get3A_119 = vector.shape_cast %get3A_118 : vector<1x16xf32> to vector<16xf32>
          %get3A_120 = arith.index_cast %scan3A_116 : i32 to index
          %get3A_121 = arith.constant 0 : index
          %get3A_122 = tpu.vector_load %arg16[%get3A_120, %get3A_121] {strides = array<i32>} : memref<64x128xf32, #tpu.memory_space<vmem>>, vector<1x16xf32>,
          %get3A_123 = vector.shape_cast %get3A_122 : vector<1x16xf32> to vector<16xf32>
          %mul3A_124 = arith.mulf %get3A_119, %get3A_123 : vector<16xf32>
          %swap3A = arith.index_cast %scan3A_116 : i32 to index
          %swap3A_125 = arith.constant 0 : index
          %swap3A_126 = tpu.vector_load %arg14[%swap3A, %swap3A_125] {strides = array<i32>} : memref<64x128xf32, #tpu.memory_space<vmem>>, vector<1x16xf32>,
          %swap3A_127 = vector.shape_cast %swap3A_126 : vector<1x16xf32> to vector<16xf32>
          %swap3A_128 = vector.shape_cast %mul3A_124 : vector<16xf32> to vector<1x16xf32>
          tpu.vector_store %arg14[%swap3A, %swap3A_125], %swap3A_128 {strides = array<i32>} : memref<64x128xf32, #tpu.memory_space<vmem>>, vector<1x16xf32>,
          %get3A_129 = arith.index_cast %scan3A_116 : i32 to index
          %get3A_130 = arith.constant 16 : index
          %get3A_131 = tpu.vector_load %arg14[%get3A_129, %get3A_130] {strides = array<i32>} : memref<64x128xf32, #tpu.memory_space<vmem>>, vector<1x16xf32>,
          %get3A_132 = vector.shape_cast %get3A_131 : vector<1x16xf32> to vector<16xf32>
          %get3A_133 = arith.index_cast %scan3A_116 : i32 to index
          %get3A_134 = arith.constant 16 : index
          %get3A_135 = tpu.vector_load %arg16[%get3A_133, %get3A_134] {strides = array<i32>} : memref<64x128xf32, #tpu.memory_space<vmem>>, vector<1x16xf32>,
          %get3A_136 = vector.shape_cast %get3A_135 : vector<1x16xf32> to vector<16xf32>
          %mul3A_137 = arith.mulf %get3A_132, %get3A_136 : vector<16xf32>
          %swap3A_138 = arith.index_cast %scan3A_116 : i32 to index
          %swap3A_139 = arith.constant 16 : index
          %swap3A_140 = tpu.vector_load %arg14[%swap3A_138, %swap3A_139] {strides = array<i32>} : memref<64x128xf32, #tpu.memory_space<vmem>>, vector<1x16xf32>,
          %swap3A_141 = vector.shape_cast %swap3A_140 : vector<1x16xf32> to vector<16xf32>
          %swap3A_142 = vector.shape_cast %mul3A_137 : vector<16xf32> to vector<1x16xf32>
          tpu.vector_store %arg14[%swap3A_138, %swap3A_139], %swap3A_142 {strides = array<i32>} : memref<64x128xf32, #tpu.memory_space<vmem>>, vector<1x16xf32>,
          %get3A_143 = arith.index_cast %scan3A_116 : i32 to index
          %get3A_144 = arith.constant 32 : index
          %get3A_145 = tpu.vector_load %arg14[%get3A_143, %get3A_144] {strides = array<i32>} : memref<64x128xf32, #tpu.memory_space<vmem>>, vector<1x16xf32>,
          %get3A_146 = vector.shape_cast %get3A_145 : vector<1x16xf32> to vector<16xf32>
          %get3A_147 = arith.index_cast %scan3A_116 : i32 to index
          %get3A_148 = arith.constant 32 : index
          %get3A_149 = tpu.vector_load %arg16[%get3A_147, %get3A_148] {strides = array<i32>} : memref<64x128xf32, #tpu.memory_space<vmem>>, vector<1x16xf32>,
          %get3A_150 = vector.shape_cast %get3A_149 : vector<1x16xf32> to vector<16xf32>
          %mul3A_151 = arith.mulf %get3A_146, %get3A_150 : vector<16xf32>
          %swap3A_152 = arith.index_cast %scan3A_116 : i32 to index
          %swap3A_153 = arith.constant 32 : index
          %swap3A_154 = tpu.vector_load %arg14[%swap3A_152, %swap3A_153] {strides = array<i32>} : memref<64x128xf32, #tpu.memory_space<vmem>>, vector<1x16xf32>,
          %swap3A_155 = vector.shape_cast %swap3A_154 : vector<1x16xf32> to vector<16xf32>
          %swap3A_156 = vector.shape_cast %mul3A_151 : vector<16xf32> to vector<1x16xf32>
          tpu.vector_store %arg14[%swap3A_152, %swap3A_153], %swap3A_156 {strides = array<i32>} : memref<64x128xf32, #tpu.memory_space<vmem>>, vector<1x16xf32>,
          %get3A_157 = arith.index_cast %scan3A_116 : i32 to index
          %get3A_158 = arith.constant 48 : index
          %get3A_159 = tpu.vector_load %arg14[%get3A_157, %get3A_158] {strides = array<i32>} : memref<64x128xf32, #tpu.memory_space<vmem>>, vector<1x16xf32>,
          %get3A_160 = vector.shape_cast %get3A_159 : vector<1x16xf32> to vector<16xf32>
          %get3A_161 = arith.index_cast %scan3A_116 : i32 to index
          %get3A_162 = arith.constant 48 : index
          %get3A_163 = tpu.vector_load %arg16[%get3A_161, %get3A_162] {strides = array<i32>} : memref<64x128xf32, #tpu.memory_space<vmem>>, vector<1x16xf32>,
          %get3A_164 = vector.shape_cast %get3A_163 : vector<1x16xf32> to vector<16xf32>
          %mul3A_165 = arith.mulf %get3A_160, %get3A_164 : vector<16xf32>
          %swap3A_166 = arith.index_cast %scan3A_116 : i32 to index
          %swap3A_167 = arith.constant 48 : index
          %swap3A_168 = tpu.vector_load %arg14[%swap3A_166, %swap3A_167] {strides = array<i32>} : memref<64x128xf32, #tpu.memory_space<vmem>>, vector<1x16xf32>,
          %swap3A_169 = vector.shape_cast %swap3A_168 : vector<1x16xf32> to vector<16xf32>
          %swap3A_170 = vector.shape_cast %mul3A_165 : vector<16xf32> to vector<1x16xf32>
          tpu.vector_store %arg14[%swap3A_166, %swap3A_167], %swap3A_170 {strides = array<i32>} : memref<64x128xf32, #tpu.memory_space<vmem>>, vector<1x16xf32>,
          %get3A_171 = arith.index_cast %scan3A_116 : i32 to index
          %get3A_172 = arith.constant 64 : index
          %get3A_173 = tpu.vector_load %arg14[%get3A_171, %get3A_172] {strides = array<i32>} : memref<64x128xf32, #tpu.memory_space<vmem>>, vector<1x16xf32>,
          %get3A_174 = vector.shape_cast %get3A_173 : vector<1x16xf32> to vector<16xf32>
          %get3A_175 = arith.index_cast %scan3A_116 : i32 to index
          %get3A_176 = arith.constant 64 : index
          %get3A_177 = tpu.vector_load %arg16[%get3A_175, %get3A_176] {strides = array<i32>} : memref<64x128xf32, #tpu.memory_space<vmem>>, vector<1x16xf32>,
          %get3A_178 = vector.shape_cast %get3A_177 : vector<1x16xf32> to vector<16xf32>
          %mul3A_179 = arith.mulf %get3A_174, %get3A_178 : vector<16xf32>
          %swap3A_180 = arith.index_cast %scan3A_116 : i32 to index
          %swap3A_181 = arith.constant 64 : index
          %swap3A_182 = tpu.vector_load %arg14[%swap3A_180, %swap3A_181] {strides = array<i32>} : memref<64x128xf32, #tpu.memory_space<vmem>>, vector<1x16xf32>,
          %swap3A_183 = vector.shape_cast %swap3A_182 : vector<1x16xf32> to vector<16xf32>
          %swap3A_184 = vector.shape_cast %mul3A_179 : vector<16xf32> to vector<1x16xf32>
          tpu.vector_store %arg14[%swap3A_180, %swap3A_181], %swap3A_184 {strides = array<i32>} : memref<64x128xf32, #tpu.memory_space<vmem>>, vector<1x16xf32>,
          %get3A_185 = arith.index_cast %scan3A_116 : i32 to index
          %get3A_186 = arith.constant 80 : index
          %get3A_187 = tpu.vector_load %arg14[%get3A_185, %get3A_186] {strides = array<i32>} : memref<64x128xf32, #tpu.memory_space<vmem>>, vector<1x16xf32>,
          %get3A_188 = vector.shape_cast %get3A_187 : vector<1x16xf32> to vector<16xf32>
          %get3A_189 = arith.index_cast %scan3A_116 : i32 to index
          %get3A_190 = arith.constant 80 : index
          %get3A_191 = tpu.vector_load %arg16[%get3A_189, %get3A_190] {strides = array<i32>} : memref<64x128xf32, #tpu.memory_space<vmem>>, vector<1x16xf32>,
          %get3A_192 = vector.shape_cast %get3A_191 : vector<1x16xf32> to vector<16xf32>
          %mul3A_193 = arith.mulf %get3A_188, %get3A_192 : vector<16xf32>
          %swap3A_194 = arith.index_cast %scan3A_116 : i32 to index
          %swap3A_195 = arith.constant 80 : index
          %swap3A_196 = tpu.vector_load %arg14[%swap3A_194, %swap3A_195] {strides = array<i32>} : memref<64x128xf32, #tpu.memory_space<vmem>>, vector<1x16xf32>,
          %swap3A_197 = vector.shape_cast %swap3A_196 : vector<1x16xf32> to vector<16xf32>
          %swap3A_198 = vector.shape_cast %mul3A_193 : vector<16xf32> to vector<1x16xf32>
          tpu.vector_store %arg14[%swap3A_194, %swap3A_195], %swap3A_198 {strides = array<i32>} : memref<64x128xf32, #tpu.memory_space<vmem>>, vector<1x16xf32>,
          %get3A_199 = arith.index_cast %scan3A_116 : i32 to index
          %get3A_200 = arith.constant 96 : index
          %get3A_201 = tpu.vector_load %arg14[%get3A_199, %get3A_200] {strides = array<i32>} : memref<64x128xf32, #tpu.memory_space<vmem>>, vector<1x16xf32>,
          %get3A_202 = vector.shape_cast %get3A_201 : vector<1x16xf32> to vector<16xf32>
          %get3A_203 = arith.index_cast %scan3A_116 : i32 to index
          %get3A_204 = arith.constant 96 : index
          %get3A_205 = tpu.vector_load %arg16[%get3A_203, %get3A_204] {strides = array<i32>} : memref<64x128xf32, #tpu.memory_space<vmem>>, vector<1x16xf32>,
          %get3A_206 = vector.shape_cast %get3A_205 : vector<1x16xf32> to vector<16xf32>
          %mul3A_207 = arith.mulf %get3A_202, %get3A_206 : vector<16xf32>
          %swap3A_208 = arith.index_cast %scan3A_116 : i32 to index
          %swap3A_209 = arith.constant 96 : index
          %swap3A_210 = tpu.vector_load %arg14[%swap3A_208, %swap3A_209] {strides = array<i32>} : memref<64x128xf32, #tpu.memory_space<vmem>>, vector<1x16xf32>,
          %swap3A_211 = vector.shape_cast %swap3A_210 : vector<1x16xf32> to vector<16xf32>
          %swap3A_212 = vector.shape_cast %mul3A_207 : vector<16xf32> to vector<1x16xf32>
          tpu.vector_store %arg14[%swap3A_208, %swap3A_209], %swap3A_212 {strides = array<i32>} : memref<64x128xf32, #tpu.memory_space<vmem>>, vector<1x16xf32>,
          %get3A_213 = arith.index_cast %scan3A_116 : i32 to index
          %get3A_214 = arith.constant 112 : index
          %get3A_215 = tpu.vector_load %arg14[%get3A_213, %get3A_214] {strides = array<i32>} : memref<64x128xf32, #tpu.memory_space<vmem>>, vector<1x16xf32>,
          %get3A_216 = vector.shape_cast %get3A_215 : vector<1x16xf32> to vector<16xf32>
          %get3A_217 = arith.index_cast %scan3A_116 : i32 to index
          %get3A_218 = arith.constant 112 : index
          %get3A_219 = tpu.vector_load %arg16[%get3A_217, %get3A_218] {strides = array<i32>} : memref<64x128xf32, #tpu.memory_space<vmem>>, vector<1x16xf32>,
          %get3A_220 = vector.shape_cast %get3A_219 : vector<1x16xf32> to vector<16xf32>
          %mul3A_221 = arith.mulf %get3A_216, %get3A_220 : vector<16xf32>
          %swap3A_222 = arith.index_cast %scan3A_116 : i32 to index
          %swap3A_223 = arith.constant 112 : index
          %swap3A_224 = tpu.vector_load %arg14[%swap3A_222, %swap3A_223] {strides = array<i32>} : memref<64x128xf32, #tpu.memory_space<vmem>>, vector<1x16xf32>,
          %swap3A_225 = vector.shape_cast %swap3A_224 : vector<1x16xf32> to vector<16xf32>
          %swap3A_226 = vector.shape_cast %mul3A_221 : vector<16xf32> to vector<1x16xf32>
          tpu.vector_store %arg14[%swap3A_222, %swap3A_223], %swap3A_226 {strides = array<i32>} : memref<64x128xf32, #tpu.memory_space<vmem>>, vector<1x16xf32>,
        }
        %scan3A_115 = arith.constant 64 : i32
        %run_scoped3A = arith.constant 0 : i32
        "tpu.region"() ({
          %run_scoped3A_116 = tpu.sem_alloc : memref<!tpu.dma_semaphore, #tpu.memory_space<semaphore_mem>>
          %dma_start3A = arith.constant 0 : i32
          %dma_start3A_117 = tpu.memref_slice %arg10[%run_scoped3A, %dma_start3A] : memref<3x64xi32, #tpu.memory_space<vmem>> -> memref<1x64xi32, #tpu.memory_space<vmem>>
          %dma_start3A_118 = tpu.memref_squeeze %dma_start3A_117 : memref<1x64xi32, #tpu.memory_space<vmem>> -> memref<64xi32, #tpu.memory_space<vmem>>
          %dma_start3A_119 = arith.constant 0 : i32
          %dma_start3A_120 = arith.constant 0 : i32
          %dma_start3A_121 = tpu.memref_slice %arg7[%dma_start3A_119, %dma_start3A_120] : memref<10112x128xf32, #tpu.memory_space<vmem_shared>> -> memref<10112x128xf32, #tpu.memory_space<vmem_shared>>
          tpu.enqueue_indirect_dma source(%arg14 : memref<64x128xf32, #tpu.memory_space<vmem>>) target(%dma_start3A_121 : memref<10112x128xf32, #tpu.memory_space<vmem_shared>>) offsets(%dma_start3A_118 : memref<64xi32, #tpu.memory_space<vmem>>) semaphore(%run_scoped3A_116 : memref<!tpu.dma_semaphore, #tpu.memory_space<semaphore_mem>>) {add = true}
          %dma_wait3A_122 = arith.constant 0 : i32
          %dma_wait3A_123 = tpu.memref_slice %arg10[%run_scoped3A, %dma_wait3A_122] : memref<3x64xi32, #tpu.memory_space<vmem>> -> memref<1x64xi32, #tpu.memory_space<vmem>>
          %dma_wait3A_124 = tpu.memref_squeeze %dma_wait3A_123 : memref<1x64xi32, #tpu.memory_space<vmem>> -> memref<64xi32, #tpu.memory_space<vmem>>
          %dma_wait3A_125 = arith.constant 0 : i32
          %dma_wait3A_126 = arith.constant 0 : i32
          %dma_wait3A_127 = tpu.memref_slice %arg7[%dma_wait3A_125, %dma_wait3A_126] : memref<10112x128xf32, #tpu.memory_space<vmem_shared>> -> memref<10112x128xf32, #tpu.memory_space<vmem_shared>>
          tpu.wait_indirect_dma semaphore(%run_scoped3A_116 : memref<!tpu.dma_semaphore, #tpu.memory_space<semaphore_mem>>) src(%arg14 : memref<64x128xf32, #tpu.memory_space<vmem>>) dst(%dma_wait3A_127 : memref<10112x128xf32, #tpu.memory_space<vmem_shared>>)
          tpu.yield
        }) : () -> ()
      } else {
      }
    }
    %scan3A_24 = arith.constant 79 : i32
    %barrier3A_25 = arith.constant 0 : index
    tpu.barrier barrier_id(%barrier3A_25)
    %broadcast_in_dim3A_26 = arith.constant 0.000000e+00 : f32
    %broadcast_in_dim3A_27 = vector.broadcast %broadcast_in_dim3A_26 : f32 to vector<16xf32>
    %scan3A_28 = arith.constant 0 : i32
    %scan3A_29 = arith.constant 0 : i32
    %scan3A_30 = arith.constant 64 : i32
    %scan3A_31 = arith.addi %scan3A_29, %scan3A_30 : i32
    %scan3A_32 = arith.constant 1 : i32
    scf.for %scan3A_62 = %scan3A_29 to %scan3A_31 step %scan3A_32  : i32 {
      %swap3A = arith.index_cast %scan3A_62 : i32 to index
      %swap3A_63 = arith.constant 0 : index
      %swap3A_64 = tpu.vector_load %arg14[%swap3A, %swap3A_63] {strides = array<i32>} : memref<64x128xf32, #tpu.memory_space<vmem>>, vector<1x16xf32>,
      %swap3A_65 = vector.shape_cast %swap3A_64 : vector<1x16xf32> to vector<16xf32>
      %swap3A_66 = vector.shape_cast %broadcast_in_dim3A_27 : vector<16xf32> to vector<1x16xf32>
      tpu.vector_store %arg14[%swap3A, %swap3A_63], %swap3A_66 {strides = array<i32>} : memref<64x128xf32, #tpu.memory_space<vmem>>, vector<1x16xf32>,
      %swap3A_67 = arith.index_cast %scan3A_62 : i32 to index
      %swap3A_68 = arith.constant 16 : index
      %swap3A_69 = tpu.vector_load %arg14[%swap3A_67, %swap3A_68] {strides = array<i32>} : memref<64x128xf32, #tpu.memory_space<vmem>>, vector<1x16xf32>,
      %swap3A_70 = vector.shape_cast %swap3A_69 : vector<1x16xf32> to vector<16xf32>
      %swap3A_71 = vector.shape_cast %broadcast_in_dim3A_27 : vector<16xf32> to vector<1x16xf32>
      tpu.vector_store %arg14[%swap3A_67, %swap3A_68], %swap3A_71 {strides = array<i32>} : memref<64x128xf32, #tpu.memory_space<vmem>>, vector<1x16xf32>,
      %swap3A_72 = arith.index_cast %scan3A_62 : i32 to index
      %swap3A_73 = arith.constant 32 : index
      %swap3A_74 = tpu.vector_load %arg14[%swap3A_72, %swap3A_73] {strides = array<i32>} : memref<64x128xf32, #tpu.memory_space<vmem>>, vector<1x16xf32>,
      %swap3A_75 = vector.shape_cast %swap3A_74 : vector<1x16xf32> to vector<16xf32>
      %swap3A_76 = vector.shape_cast %broadcast_in_dim3A_27 : vector<16xf32> to vector<1x16xf32>
      tpu.vector_store %arg14[%swap3A_72, %swap3A_73], %swap3A_76 {strides = array<i32>} : memref<64x128xf32, #tpu.memory_space<vmem>>, vector<1x16xf32>,
      %swap3A_77 = arith.index_cast %scan3A_62 : i32 to index
      %swap3A_78 = arith.constant 48 : index
      %swap3A_79 = tpu.vector_load %arg14[%swap3A_77, %swap3A_78] {strides = array<i32>} : memref<64x128xf32, #tpu.memory_space<vmem>>, vector<1x16xf32>,
      %swap3A_80 = vector.shape_cast %swap3A_79 : vector<1x16xf32> to vector<16xf32>
      %swap3A_81 = vector.shape_cast %broadcast_in_dim3A_27 : vector<16xf32> to vector<1x16xf32>
      tpu.vector_store %arg14[%swap3A_77, %swap3A_78], %swap3A_81 {strides = array<i32>} : memref<64x128xf32, #tpu.memory_space<vmem>>, vector<1x16xf32>,
      %swap3A_82 = arith.index_cast %scan3A_62 : i32 to index
      %swap3A_83 = arith.constant 64 : index
      %swap3A_84 = tpu.vector_load %arg14[%swap3A_82, %swap3A_83] {strides = array<i32>} : memref<64x128xf32, #tpu.memory_space<vmem>>, vector<1x16xf32>,
      %swap3A_85 = vector.shape_cast %swap3A_84 : vector<1x16xf32> to vector<16xf32>
      %swap3A_86 = vector.shape_cast %broadcast_in_dim3A_27 : vector<16xf32> to vector<1x16xf32>
      tpu.vector_store %arg14[%swap3A_82, %swap3A_83], %swap3A_86 {strides = array<i32>} : memref<64x128xf32, #tpu.memory_space<vmem>>, vector<1x16xf32>,
      %swap3A_87 = arith.index_cast %scan3A_62 : i32 to index
      %swap3A_88 = arith.constant 80 : index
      %swap3A_89 = tpu.vector_load %arg14[%swap3A_87, %swap3A_88] {strides = array<i32>} : memref<64x128xf32, #tpu.memory_space<vmem>>, vector<1x16xf32>,
      %swap3A_90 = vector.shape_cast %swap3A_89 : vector<1x16xf32> to vector<16xf32>
      %swap3A_91 = vector.shape_cast %broadcast_in_dim3A_27 : vector<16xf32> to vector<1x16xf32>
      tpu.vector_store %arg14[%swap3A_87, %swap3A_88], %swap3A_91 {strides = array<i32>} : memref<64x128xf32, #tpu.memory_space<vmem>>, vector<1x16xf32>,
      %swap3A_92 = arith.index_cast %scan3A_62 : i32 to index
      %swap3A_93 = arith.constant 96 : index
      %swap3A_94 = tpu.vector_load %arg14[%swap3A_92, %swap3A_93] {strides = array<i32>} : memref<64x128xf32, #tpu.memory_space<vmem>>, vector<1x16xf32>,
      %swap3A_95 = vector.shape_cast %swap3A_94 : vector<1x16xf32> to vector<16xf32>
      %swap3A_96 = vector.shape_cast %broadcast_in_dim3A_27 : vector<16xf32> to vector<1x16xf32>
      tpu.vector_store %arg14[%swap3A_92, %swap3A_93], %swap3A_96 {strides = array<i32>} : memref<64x128xf32, #tpu.memory_space<vmem>>, vector<1x16xf32>,
      %swap3A_97 = arith.index_cast %scan3A_62 : i32 to index
      %swap3A_98 = arith.constant 112 : index
      %swap3A_99 = tpu.vector_load %arg14[%swap3A_97, %swap3A_98] {strides = array<i32>} : memref<64x128xf32, #tpu.memory_space<vmem>>, vector<1x16xf32>,
      %swap3A_100 = vector.shape_cast %swap3A_99 : vector<1x16xf32> to vector<16xf32>
      %swap3A_101 = vector.shape_cast %broadcast_in_dim3A_27 : vector<16xf32> to vector<1x16xf32>
      tpu.vector_store %arg14[%swap3A_97, %swap3A_98], %swap3A_101 {strides = array<i32>} : memref<64x128xf32, #tpu.memory_space<vmem>>, vector<1x16xf32>,
    }
    %scan3A_33 = arith.constant 64 : i32
    %scan3A_34 = arith.constant 0 : i32
    %scan3A_35 = arith.constant 0 : i32
    %scan3A_36 = arith.constant 10 : i32
    %scan3A_37 = arith.addi %scan3A_35, %scan3A_36 : i32
    %scan3A_38 = arith.constant 1 : i32
    scf.for %scan3A_62 = %scan3A_35 to %scan3A_37 step %scan3A_38  : i32 {
      %mul3A_63 = arith.constant 16 : i32
      %mul3A_64 = arith.muli %mul3A_63, %scan3A_62 : i32
      %add3A_65 = arith.addi %arg1, %mul3A_64 : i32
      %lt3A_66 = arith.constant 158 : i32
      %lt3A_67 = arith.cmpi slt, %add3A_65, %lt3A_66 : i32
      %convert_element_type3A_68 = arith.extui %lt3A_67 : i1 to i32
      %cond3A_69 = arith.constant 0 : i32
      %cond3A_70 = arith.cmpi ne, %convert_element_type3A_68, %cond3A_69 : i32
      scf.if %cond3A_70 {
        %mul3A_71 = arith.constant 64 : i32
        %mul3A_72 = arith.muli %add3A_65, %mul3A_71 : i32
        %iota3A = tpu.iota {dimensions = array<i32: 0>} : vector<16xi32>
        %add3A_73 = arith.constant 0 : i32
        %add3A_74 = arith.addi %mul3A_72, %add3A_73 : i32
        %add3A_75 = vector.broadcast %add3A_74 : i32 to vector<16xi32>
        %add3A_76 = arith.addi %iota3A, %add3A_75 : vector<16xi32>
        %swap3A = arith.constant 0 : index
        %swap3A_77 = tpu.vector_load %arg12[%swap3A] {strides = array<i32>} : memref<64xi32, #tpu.memory_space<vmem>>, vector<16xi32>,
        %swap3A_78 = vector.shape_cast %swap3A_77 : vector<16xi32> to vector<16xi32>
        %swap3A_79 = vector.shape_cast %add3A_76 : vector<16xi32> to vector<16xi32>
        tpu.vector_store %arg12[%swap3A], %swap3A_79 {strides = array<i32>} : memref<64xi32, #tpu.memory_space<vmem>>, vector<16xi32>,
        %iota3A_80 = tpu.iota {dimensions = array<i32: 0>} : vector<16xi32>
        %add3A_81 = arith.constant 16 : i32
        %add3A_82 = arith.addi %mul3A_72, %add3A_81 : i32
        %add3A_83 = vector.broadcast %add3A_82 : i32 to vector<16xi32>
        %add3A_84 = arith.addi %iota3A_80, %add3A_83 : vector<16xi32>
        %swap3A_85 = arith.constant 16 : index
        %swap3A_86 = tpu.vector_load %arg12[%swap3A_85] {strides = array<i32>} : memref<64xi32, #tpu.memory_space<vmem>>, vector<16xi32>,
        %swap3A_87 = vector.shape_cast %swap3A_86 : vector<16xi32> to vector<16xi32>
        %swap3A_88 = vector.shape_cast %add3A_84 : vector<16xi32> to vector<16xi32>
        tpu.vector_store %arg12[%swap3A_85], %swap3A_88 {strides = array<i32>} : memref<64xi32, #tpu.memory_space<vmem>>, vector<16xi32>,
        %iota3A_89 = tpu.iota {dimensions = array<i32: 0>} : vector<16xi32>
        %add3A_90 = arith.constant 32 : i32
        %add3A_91 = arith.addi %mul3A_72, %add3A_90 : i32
        %add3A_92 = vector.broadcast %add3A_91 : i32 to vector<16xi32>
        %add3A_93 = arith.addi %iota3A_89, %add3A_92 : vector<16xi32>
        %swap3A_94 = arith.constant 32 : index
        %swap3A_95 = tpu.vector_load %arg12[%swap3A_94] {strides = array<i32>} : memref<64xi32, #tpu.memory_space<vmem>>, vector<16xi32>,
        %swap3A_96 = vector.shape_cast %swap3A_95 : vector<16xi32> to vector<16xi32>
        %swap3A_97 = vector.shape_cast %add3A_93 : vector<16xi32> to vector<16xi32>
        tpu.vector_store %arg12[%swap3A_94], %swap3A_97 {strides = array<i32>} : memref<64xi32, #tpu.memory_space<vmem>>, vector<16xi32>,
        %iota3A_98 = tpu.iota {dimensions = array<i32: 0>} : vector<16xi32>
        %add3A_99 = arith.constant 48 : i32
        %add3A_100 = arith.addi %mul3A_72, %add3A_99 : i32
        %add3A_101 = vector.broadcast %add3A_100 : i32 to vector<16xi32>
        %add3A_102 = arith.addi %iota3A_98, %add3A_101 : vector<16xi32>
        %swap3A_103 = arith.constant 48 : index
        %swap3A_104 = tpu.vector_load %arg12[%swap3A_103] {strides = array<i32>} : memref<64xi32, #tpu.memory_space<vmem>>, vector<16xi32>,
        %swap3A_105 = vector.shape_cast %swap3A_104 : vector<16xi32> to vector<16xi32>
        %swap3A_106 = vector.shape_cast %add3A_102 : vector<16xi32> to vector<16xi32>
        tpu.vector_store %arg12[%swap3A_103], %swap3A_106 {strides = array<i32>} : memref<64xi32, #tpu.memory_space<vmem>>, vector<16xi32>,
        %dma_start3A = arith.constant 0 : i32
        %dma_start3A_107 = arith.constant 0 : i32
        %dma_start3A_108 = tpu.memref_slice %arg7[%dma_start3A, %dma_start3A_107] : memref<10112x128xf32, #tpu.memory_space<vmem_shared>> -> memref<10112x128xf32, #tpu.memory_space<vmem_shared>>
        tpu.enqueue_indirect_dma source(%dma_start3A_108 : memref<10112x128xf32, #tpu.memory_space<vmem_shared>>) target(%arg13 : memref<64x128xf32, #tpu.memory_space<vmem>>) offsets(%arg12 : memref<64xi32, #tpu.memory_space<vmem>>) semaphore(%arg17 : memref<!tpu.dma_semaphore, #tpu.memory_space<semaphore_mem>>)
        %dma_wait3A = arith.constant 0 : i32
        %dma_wait3A_109 = arith.constant 0 : i32
        %dma_wait3A_110 = tpu.memref_slice %arg7[%dma_wait3A, %dma_wait3A_109] : memref<10112x128xf32, #tpu.memory_space<vmem_shared>> -> memref<10112x128xf32, #tpu.memory_space<vmem_shared>>
        tpu.wait_indirect_dma semaphore(%arg17 : memref<!tpu.dma_semaphore, #tpu.memory_space<semaphore_mem>>) src(%dma_wait3A_110 : memref<10112x128xf32, #tpu.memory_space<vmem_shared>>) dst(%arg13 : memref<64x128xf32, #tpu.memory_space<vmem>>)
        %mul3A_111 = arith.constant 64 : i32
        %mul3A_112 = arith.muli %add3A_65, %mul3A_111 : i32
        "tpu.region"() ({
          %run_scoped3A = tpu.sem_alloc : memref<!tpu.dma_semaphore, #tpu.memory_space<semaphore_mem>>
          %dma_start3A_113 = arith.constant 0 : i32
          %dma_start3A_114 = tpu.memref_slice %arg5[%arg0, %mul3A_112, %dma_start3A_113] : memref<2x10112x128xf32, #tpu.memory_space<hbm>> -> memref<1x64x128xf32, #tpu.memory_space<hbm>>
          %dma_start3A_115 = tpu.memref_squeeze %dma_start3A_114 : memref<1x64x128xf32, #tpu.memory_space<hbm>> -> memref<64x128xf32, #tpu.memory_space<hbm>>
          %dma_start3A_116 = arith.constant 0 : i32
          %dma_start3A_117 = tpu.memref_slice %arg5[%arg0, %mul3A_112, %dma_start3A_116] : memref<2x10112x128xf32, #tpu.memory_space<hbm>> -> memref<1x64x128xf32, #tpu.memory_space<hbm>>
          %dma_start3A_118 = tpu.memref_squeeze %dma_start3A_117 : memref<1x64x128xf32, #tpu.memory_space<hbm>> -> memref<64x128xf32, #tpu.memory_space<hbm>>
          tpu.enqueue_dma source(%arg13 : memref<64x128xf32, #tpu.memory_space<vmem>>) target(%dma_start3A_118 : memref<64x128xf32, #tpu.memory_space<hbm>>) target_semaphore(%run_scoped3A : memref<!tpu.dma_semaphore, #tpu.memory_space<semaphore_mem>>)
          %dma_wait3A_119 = arith.constant 0 : i32
          %dma_wait3A_120 = tpu.memref_slice %arg5[%arg0, %mul3A_112, %dma_wait3A_119] : memref<2x10112x128xf32, #tpu.memory_space<hbm>> -> memref<1x64x128xf32, #tpu.memory_space<hbm>>
          %dma_wait3A_121 = tpu.memref_squeeze %dma_wait3A_120 : memref<1x64x128xf32, #tpu.memory_space<hbm>> -> memref<64x128xf32, #tpu.memory_space<hbm>>
          %dma_wait3A_122 = arith.constant 0 : i32
          %dma_wait3A_123 = tpu.memref_slice %arg5[%arg0, %mul3A_112, %dma_wait3A_122] : memref<2x10112x128xf32, #tpu.memory_space<hbm>> -> memref<1x64x128xf32, #tpu.memory_space<hbm>>
          %dma_wait3A_124 = tpu.memref_squeeze %dma_wait3A_123 : memref<1x64x128xf32, #tpu.memory_space<hbm>> -> memref<64x128xf32, #tpu.memory_space<hbm>>
          tpu.wait_dma2 semaphore(%run_scoped3A : memref<!tpu.dma_semaphore, #tpu.memory_space<semaphore_mem>>) src(%arg13 : memref<64x128xf32, #tpu.memory_space<vmem>>) dst(%dma_wait3A_124 : memref<64x128xf32, #tpu.memory_space<hbm>>)
          tpu.yield
        }) : () -> ()
        "tpu.region"() ({
          %run_scoped3A = tpu.sem_alloc : memref<!tpu.dma_semaphore, #tpu.memory_space<semaphore_mem>>
          %dma_start3A_113 = arith.constant 0 : i32
          %dma_start3A_114 = arith.constant 0 : i32
          %dma_start3A_115 = tpu.memref_slice %arg7[%dma_start3A_113, %dma_start3A_114] : memref<10112x128xf32, #tpu.memory_space<vmem_shared>> -> memref<10112x128xf32, #tpu.memory_space<vmem_shared>>
          tpu.enqueue_indirect_dma source(%arg14 : memref<64x128xf32, #tpu.memory_space<vmem>>) target(%dma_start3A_115 : memref<10112x128xf32, #tpu.memory_space<vmem_shared>>) offsets(%arg12 : memref<64xi32, #tpu.memory_space<vmem>>) semaphore(%run_scoped3A : memref<!tpu.dma_semaphore, #tpu.memory_space<semaphore_mem>>)
          %dma_wait3A_116 = arith.constant 0 : i32
          %dma_wait3A_117 = arith.constant 0 : i32
          %dma_wait3A_118 = tpu.memref_slice %arg7[%dma_wait3A_116, %dma_wait3A_117] : memref<10112x128xf32, #tpu.memory_space<vmem_shared>> -> memref<10112x128xf32, #tpu.memory_space<vmem_shared>>
          tpu.wait_indirect_dma semaphore(%run_scoped3A : memref<!tpu.dma_semaphore, #tpu.memory_space<semaphore_mem>>) src(%arg14 : memref<64x128xf32, #tpu.memory_space<vmem>>) dst(%dma_wait3A_118 : memref<10112x128xf32, #tpu.memory_space<vmem_shared>>)
          tpu.yield
        }) : () -> ()
      } else {
      }
    }
    %scan3A_39 = arith.constant 10 : i32
    %barrier3A_40 = arith.constant 0 : index
    tpu.barrier barrier_id(%barrier3A_40)
    %broadcast_in_dim3A_41 = arith.constant 1.000000e+00 : f32
    %broadcast_in_dim3A_42 = vector.broadcast %broadcast_in_dim3A_41 : f32 to vector<16xf32>
    %scan3A_43 = arith.constant 0 : i32
    %scan3A_44 = arith.constant 0 : i32
    %scan3A_45 = arith.constant 64 : i32
    %scan3A_46 = arith.addi %scan3A_44, %scan3A_45 : i32
    %scan3A_47 = arith.constant 1 : i32
    scf.for %scan3A_62 = %scan3A_44 to %scan3A_46 step %scan3A_47  : i32 {
      %swap3A = arith.index_cast %scan3A_62 : i32 to index
      %swap3A_63 = arith.constant 0 : index
      %swap3A_64 = tpu.vector_load %arg13[%swap3A, %swap3A_63] {strides = array<i32>} : memref<64x128xf32, #tpu.memory_space<vmem>>, vector<1x16xf32>,
      %swap3A_65 = vector.shape_cast %swap3A_64 : vector<1x16xf32> to vector<16xf32>
      %swap3A_66 = vector.shape_cast %broadcast_in_dim3A_42 : vector<16xf32> to vector<1x16xf32>
      tpu.vector_store %arg13[%swap3A, %swap3A_63], %swap3A_66 {strides = array<i32>} : memref<64x128xf32, #tpu.memory_space<vmem>>, vector<1x16xf32>,
      %swap3A_67 = arith.index_cast %scan3A_62 : i32 to index
      %swap3A_68 = arith.constant 16 : index
      %swap3A_69 = tpu.vector_load %arg13[%swap3A_67, %swap3A_68] {strides = array<i32>} : memref<64x128xf32, #tpu.memory_space<vmem>>, vector<1x16xf32>,
      %swap3A_70 = vector.shape_cast %swap3A_69 : vector<1x16xf32> to vector<16xf32>
      %swap3A_71 = vector.shape_cast %broadcast_in_dim3A_42 : vector<16xf32> to vector<1x16xf32>
      tpu.vector_store %arg13[%swap3A_67, %swap3A_68], %swap3A_71 {strides = array<i32>} : memref<64x128xf32, #tpu.memory_space<vmem>>, vector<1x16xf32>,
      %swap3A_72 = arith.index_cast %scan3A_62 : i32 to index
      %swap3A_73 = arith.constant 32 : index
      %swap3A_74 = tpu.vector_load %arg13[%swap3A_72, %swap3A_73] {strides = array<i32>} : memref<64x128xf32, #tpu.memory_space<vmem>>, vector<1x16xf32>,
      %swap3A_75 = vector.shape_cast %swap3A_74 : vector<1x16xf32> to vector<16xf32>
      %swap3A_76 = vector.shape_cast %broadcast_in_dim3A_42 : vector<16xf32> to vector<1x16xf32>
      tpu.vector_store %arg13[%swap3A_72, %swap3A_73], %swap3A_76 {strides = array<i32>} : memref<64x128xf32, #tpu.memory_space<vmem>>, vector<1x16xf32>,
      %swap3A_77 = arith.index_cast %scan3A_62 : i32 to index
      %swap3A_78 = arith.constant 48 : index
      %swap3A_79 = tpu.vector_load %arg13[%swap3A_77, %swap3A_78] {strides = array<i32>} : memref<64x128xf32, #tpu.memory_space<vmem>>, vector<1x16xf32>,
      %swap3A_80 = vector.shape_cast %swap3A_79 : vector<1x16xf32> to vector<16xf32>
      %swap3A_81 = vector.shape_cast %broadcast_in_dim3A_42 : vector<16xf32> to vector<1x16xf32>
      tpu.vector_store %arg13[%swap3A_77, %swap3A_78], %swap3A_81 {strides = array<i32>} : memref<64x128xf32, #tpu.memory_space<vmem>>, vector<1x16xf32>,
      %swap3A_82 = arith.index_cast %scan3A_62 : i32 to index
      %swap3A_83 = arith.constant 64 : index
      %swap3A_84 = tpu.vector_load %arg13[%swap3A_82, %swap3A_83] {strides = array<i32>} : memref<64x128xf32, #tpu.memory_space<vmem>>, vector<1x16xf32>,
      %swap3A_85 = vector.shape_cast %swap3A_84 : vector<1x16xf32> to vector<16xf32>
      %swap3A_86 = vector.shape_cast %broadcast_in_dim3A_42 : vector<16xf32> to vector<1x16xf32>
      tpu.vector_store %arg13[%swap3A_82, %swap3A_83], %swap3A_86 {strides = array<i32>} : memref<64x128xf32, #tpu.memory_space<vmem>>, vector<1x16xf32>,
      %swap3A_87 = arith.index_cast %scan3A_62 : i32 to index
      %swap3A_88 = arith.constant 80 : index
      %swap3A_89 = tpu.vector_load %arg13[%swap3A_87, %swap3A_88] {strides = array<i32>} : memref<64x128xf32, #tpu.memory_space<vmem>>, vector<1x16xf32>,
      %swap3A_90 = vector.shape_cast %swap3A_89 : vector<1x16xf32> to vector<16xf32>
      %swap3A_91 = vector.shape_cast %broadcast_in_dim3A_42 : vector<16xf32> to vector<1x16xf32>
      tpu.vector_store %arg13[%swap3A_87, %swap3A_88], %swap3A_91 {strides = array<i32>} : memref<64x128xf32, #tpu.memory_space<vmem>>, vector<1x16xf32>,
      %swap3A_92 = arith.index_cast %scan3A_62 : i32 to index
      %swap3A_93 = arith.constant 96 : index
      %swap3A_94 = tpu.vector_load %arg13[%swap3A_92, %swap3A_93] {strides = array<i32>} : memref<64x128xf32, #tpu.memory_space<vmem>>, vector<1x16xf32>,
      %swap3A_95 = vector.shape_cast %swap3A_94 : vector<1x16xf32> to vector<16xf32>
      %swap3A_96 = vector.shape_cast %broadcast_in_dim3A_42 : vector<16xf32> to vector<1x16xf32>
      tpu.vector_store %arg13[%swap3A_92, %swap3A_93], %swap3A_96 {strides = array<i32>} : memref<64x128xf32, #tpu.memory_space<vmem>>, vector<1x16xf32>,
      %swap3A_97 = arith.index_cast %scan3A_62 : i32 to index
      %swap3A_98 = arith.constant 112 : index
      %swap3A_99 = tpu.vector_load %arg13[%swap3A_97, %swap3A_98] {strides = array<i32>} : memref<64x128xf32, #tpu.memory_space<vmem>>, vector<1x16xf32>,
      %swap3A_100 = vector.shape_cast %swap3A_99 : vector<1x16xf32> to vector<16xf32>
      %swap3A_101 = vector.shape_cast %broadcast_in_dim3A_42 : vector<16xf32> to vector<1x16xf32>
      tpu.vector_store %arg13[%swap3A_97, %swap3A_98], %swap3A_101 {strides = array<i32>} : memref<64x128xf32, #tpu.memory_space<vmem>>, vector<1x16xf32>,
    }
    %scan3A_48 = arith.constant 64 : i32
    %scan3A_49 = arith.constant 0 : i32
    %scan3A_50 = arith.constant 0 : i32
    %scan3A_51 = arith.constant 157 : i32
    %scan3A_52 = arith.addi %scan3A_50, %scan3A_51 : i32
    %scan3A_53 = arith.constant 1 : i32
    scf.for %scan3A_62 = %scan3A_50 to %scan3A_52 step %scan3A_53  : i32 {
      %mul3A_63 = arith.constant 32 : i32
      %mul3A_64 = arith.muli %mul3A_63, %scan3A_62 : i32
      %add3A_65 = arith.addi %add3A, %mul3A_64 : i32
      %lt3A_66 = arith.constant 5000 : i32
      %lt3A_67 = arith.cmpi slt, %add3A_65, %lt3A_66 : i32
      %convert_element_type3A_68 = arith.extui %lt3A_67 : i1 to i32
      %cond3A_69 = arith.constant 0 : i32
      %cond3A_70 = arith.cmpi ne, %convert_element_type3A_68, %cond3A_69 : i32
      scf.if %cond3A_70 {
        %run_scoped3A = arith.constant 0 : i32
        "tpu.region"() ({
          %run_scoped3A_71 = tpu.sem_alloc : memref<!tpu.dma_semaphore, #tpu.memory_space<semaphore_mem>>
          %dma_start3A = arith.constant 0 : i32
          %dma_start3A_72 = tpu.memref_slice %arg4[%add3A_65, %run_scoped3A, %dma_start3A] : memref<5000x3x64xi32, #tpu.memory_space<hbm>> -> memref<1x1x64xi32, #tpu.memory_space<hbm>>
          %dma_start3A_73 = tpu.memref_squeeze %dma_start3A_72 : memref<1x1x64xi32, #tpu.memory_space<hbm>> -> memref<64xi32, #tpu.memory_space<hbm>>
          %dma_start3A_74 = arith.constant 0 : i32
          %dma_start3A_75 = tpu.memref_slice %arg4[%add3A_65, %run_scoped3A, %dma_start3A_74] : memref<5000x3x64xi32, #tpu.memory_space<hbm>> -> memref<1x1x64xi32, #tpu.memory_space<hbm>>
          %dma_start3A_76 = tpu.memref_squeeze %dma_start3A_75 : memref<1x1x64xi32, #tpu.memory_space<hbm>> -> memref<64xi32, #tpu.memory_space<hbm>>
          tpu.enqueue_dma source(%dma_start3A_76 : memref<64xi32, #tpu.memory_space<hbm>>) target(%arg11 : memref<64xi32, #tpu.memory_space<vmem>>) target_semaphore(%run_scoped3A_71 : memref<!tpu.dma_semaphore, #tpu.memory_space<semaphore_mem>>)
          %dma_wait3A = arith.constant 0 : i32
          %dma_wait3A_77 = tpu.memref_slice %arg4[%add3A_65, %run_scoped3A, %dma_wait3A] : memref<5000x3x64xi32, #tpu.memory_space<hbm>> -> memref<1x1x64xi32, #tpu.memory_space<hbm>>
          %dma_wait3A_78 = tpu.memref_squeeze %dma_wait3A_77 : memref<1x1x64xi32, #tpu.memory_space<hbm>> -> memref<64xi32, #tpu.memory_space<hbm>>
          %dma_wait3A_79 = arith.constant 0 : i32
          %dma_wait3A_80 = tpu.memref_slice %arg4[%add3A_65, %run_scoped3A, %dma_wait3A_79] : memref<5000x3x64xi32, #tpu.memory_space<hbm>> -> memref<1x1x64xi32, #tpu.memory_space<hbm>>
          %dma_wait3A_81 = tpu.memref_squeeze %dma_wait3A_80 : memref<1x1x64xi32, #tpu.memory_space<hbm>> -> memref<64xi32, #tpu.memory_space<hbm>>
          tpu.wait_dma2 semaphore(%run_scoped3A_71 : memref<!tpu.dma_semaphore, #tpu.memory_space<semaphore_mem>>) src(%dma_wait3A_81 : memref<64xi32, #tpu.memory_space<hbm>>) dst(%arg11 : memref<64xi32, #tpu.memory_space<vmem>>)
          tpu.yield
        }) : () -> ()
        "tpu.region"() ({
          %run_scoped3A_71 = tpu.sem_alloc : memref<!tpu.dma_semaphore, #tpu.memory_space<semaphore_mem>>
          %dma_start3A = arith.constant 0 : i32
          %dma_start3A_72 = arith.constant 0 : i32
          %dma_start3A_73 = tpu.memref_slice %arg7[%dma_start3A, %dma_start3A_72] : memref<10112x128xf32, #tpu.memory_space<vmem_shared>> -> memref<10112x128xf32, #tpu.memory_space<vmem_shared>>
          tpu.enqueue_indirect_dma source(%arg13 : memref<64x128xf32, #tpu.memory_space<vmem>>) target(%dma_start3A_73 : memref<10112x128xf32, #tpu.memory_space<vmem_shared>>) offsets(%arg11 : memref<64xi32, #tpu.memory_space<vmem>>) semaphore(%run_scoped3A_71 : memref<!tpu.dma_semaphore, #tpu.memory_space<semaphore_mem>>) {add = true}
          %dma_wait3A = arith.constant 0 : i32
          %dma_wait3A_74 = arith.constant 0 : i32
          %dma_wait3A_75 = tpu.memref_slice %arg7[%dma_wait3A, %dma_wait3A_74] : memref<10112x128xf32, #tpu.memory_space<vmem_shared>> -> memref<10112x128xf32, #tpu.memory_space<vmem_shared>>
          tpu.wait_indirect_dma semaphore(%run_scoped3A_71 : memref<!tpu.dma_semaphore, #tpu.memory_space<semaphore_mem>>) src(%arg13 : memref<64x128xf32, #tpu.memory_space<vmem>>) dst(%dma_wait3A_75 : memref<10112x128xf32, #tpu.memory_space<vmem_shared>>)
          tpu.yield
        }) : () -> ()
      } else {
      }
    }
    %scan3A_54 = arith.constant 157 : i32
    %barrier3A_55 = arith.constant 0 : index
    tpu.barrier barrier_id(%barrier3A_55)
    %scan3A_56 = arith.constant 0 : i32
    %scan3A_57 = arith.constant 0 : i32
    %scan3A_58 = arith.constant 10 : i32
    %scan3A_59 = arith.addi %scan3A_57, %scan3A_58 : i32
    %scan3A_60 = arith.constant 1 : i32
    scf.for %scan3A_62 = %scan3A_57 to %scan3A_59 step %scan3A_60  : i32 {
      %mul3A_63 = arith.constant 16 : i32
      %mul3A_64 = arith.muli %mul3A_63, %scan3A_62 : i32
      %add3A_65 = arith.addi %arg1, %mul3A_64 : i32
      %lt3A_66 = arith.constant 158 : i32
      %lt3A_67 = arith.cmpi slt, %add3A_65, %lt3A_66 : i32
      %convert_element_type3A_68 = arith.extui %lt3A_67 : i1 to i32
      %cond3A_69 = arith.constant 0 : i32
      %cond3A_70 = arith.cmpi ne, %convert_element_type3A_68, %cond3A_69 : i32
      scf.if %cond3A_70 {
        %mul3A_71 = arith.constant 64 : i32
        %mul3A_72 = arith.muli %add3A_65, %mul3A_71 : i32
        %iota3A = tpu.iota {dimensions = array<i32: 0>} : vector<16xi32>
        %add3A_73 = arith.constant 0 : i32
        %add3A_74 = arith.addi %mul3A_72, %add3A_73 : i32
        %add3A_75 = vector.broadcast %add3A_74 : i32 to vector<16xi32>
        %add3A_76 = arith.addi %iota3A, %add3A_75 : vector<16xi32>
        %swap3A = arith.constant 0 : index
        %swap3A_77 = tpu.vector_load %arg12[%swap3A] {strides = array<i32>} : memref<64xi32, #tpu.memory_space<vmem>>, vector<16xi32>,
        %swap3A_78 = vector.shape_cast %swap3A_77 : vector<16xi32> to vector<16xi32>
        %swap3A_79 = vector.shape_cast %add3A_76 : vector<16xi32> to vector<16xi32>
        tpu.vector_store %arg12[%swap3A], %swap3A_79 {strides = array<i32>} : memref<64xi32, #tpu.memory_space<vmem>>, vector<16xi32>,
        %iota3A_80 = tpu.iota {dimensions = array<i32: 0>} : vector<16xi32>
        %add3A_81 = arith.constant 16 : i32
        %add3A_82 = arith.addi %mul3A_72, %add3A_81 : i32
        %add3A_83 = vector.broadcast %add3A_82 : i32 to vector<16xi32>
        %add3A_84 = arith.addi %iota3A_80, %add3A_83 : vector<16xi32>
        %swap3A_85 = arith.constant 16 : index
        %swap3A_86 = tpu.vector_load %arg12[%swap3A_85] {strides = array<i32>} : memref<64xi32, #tpu.memory_space<vmem>>, vector<16xi32>,
        %swap3A_87 = vector.shape_cast %swap3A_86 : vector<16xi32> to vector<16xi32>
        %swap3A_88 = vector.shape_cast %add3A_84 : vector<16xi32> to vector<16xi32>
        tpu.vector_store %arg12[%swap3A_85], %swap3A_88 {strides = array<i32>} : memref<64xi32, #tpu.memory_space<vmem>>, vector<16xi32>,
        %iota3A_89 = tpu.iota {dimensions = array<i32: 0>} : vector<16xi32>
        %add3A_90 = arith.constant 32 : i32
        %add3A_91 = arith.addi %mul3A_72, %add3A_90 : i32
        %add3A_92 = vector.broadcast %add3A_91 : i32 to vector<16xi32>
        %add3A_93 = arith.addi %iota3A_89, %add3A_92 : vector<16xi32>
        %swap3A_94 = arith.constant 32 : index
        %swap3A_95 = tpu.vector_load %arg12[%swap3A_94] {strides = array<i32>} : memref<64xi32, #tpu.memory_space<vmem>>, vector<16xi32>,
        %swap3A_96 = vector.shape_cast %swap3A_95 : vector<16xi32> to vector<16xi32>
        %swap3A_97 = vector.shape_cast %add3A_93 : vector<16xi32> to vector<16xi32>
        tpu.vector_store %arg12[%swap3A_94], %swap3A_97 {strides = array<i32>} : memref<64xi32, #tpu.memory_space<vmem>>, vector<16xi32>,
        %iota3A_98 = tpu.iota {dimensions = array<i32: 0>} : vector<16xi32>
        %add3A_99 = arith.constant 48 : i32
        %add3A_100 = arith.addi %mul3A_72, %add3A_99 : i32
        %add3A_101 = vector.broadcast %add3A_100 : i32 to vector<16xi32>
        %add3A_102 = arith.addi %iota3A_98, %add3A_101 : vector<16xi32>
        %swap3A_103 = arith.constant 48 : index
        %swap3A_104 = tpu.vector_load %arg12[%swap3A_103] {strides = array<i32>} : memref<64xi32, #tpu.memory_space<vmem>>, vector<16xi32>,
        %swap3A_105 = vector.shape_cast %swap3A_104 : vector<16xi32> to vector<16xi32>
        %swap3A_106 = vector.shape_cast %add3A_102 : vector<16xi32> to vector<16xi32>
        tpu.vector_store %arg12[%swap3A_103], %swap3A_106 {strides = array<i32>} : memref<64xi32, #tpu.memory_space<vmem>>, vector<16xi32>,
        %dma_start3A = arith.constant 0 : i32
        %dma_start3A_107 = arith.constant 0 : i32
        %dma_start3A_108 = tpu.memref_slice %arg7[%dma_start3A, %dma_start3A_107] : memref<10112x128xf32, #tpu.memory_space<vmem_shared>> -> memref<10112x128xf32, #tpu.memory_space<vmem_shared>>
        tpu.enqueue_indirect_dma source(%dma_start3A_108 : memref<10112x128xf32, #tpu.memory_space<vmem_shared>>) target(%arg13 : memref<64x128xf32, #tpu.memory_space<vmem>>) offsets(%arg12 : memref<64xi32, #tpu.memory_space<vmem>>) semaphore(%arg17 : memref<!tpu.dma_semaphore, #tpu.memory_space<semaphore_mem>>)
        %dma_wait3A = arith.constant 0 : i32
        %dma_wait3A_109 = arith.constant 0 : i32
        %dma_wait3A_110 = tpu.memref_slice %arg7[%dma_wait3A, %dma_wait3A_109] : memref<10112x128xf32, #tpu.memory_space<vmem_shared>> -> memref<10112x128xf32, #tpu.memory_space<vmem_shared>>
        tpu.wait_indirect_dma semaphore(%arg17 : memref<!tpu.dma_semaphore, #tpu.memory_space<semaphore_mem>>) src(%dma_wait3A_110 : memref<10112x128xf32, #tpu.memory_space<vmem_shared>>) dst(%arg13 : memref<64x128xf32, #tpu.memory_space<vmem>>)
        %mul3A_111 = arith.constant 64 : i32
        %mul3A_112 = arith.muli %add3A_65, %mul3A_111 : i32
        "tpu.region"() ({
          %run_scoped3A = tpu.sem_alloc : memref<!tpu.dma_semaphore, #tpu.memory_space<semaphore_mem>>
          %dma_start3A_113 = arith.constant 0 : i32
          %dma_start3A_114 = tpu.memref_slice %arg6[%arg0, %mul3A_112, %dma_start3A_113] : memref<2x10112x128xf32, #tpu.memory_space<hbm>> -> memref<1x64x128xf32, #tpu.memory_space<hbm>>
          %dma_start3A_115 = tpu.memref_squeeze %dma_start3A_114 : memref<1x64x128xf32, #tpu.memory_space<hbm>> -> memref<64x128xf32, #tpu.memory_space<hbm>>
          %dma_start3A_116 = arith.constant 0 : i32
          %dma_start3A_117 = tpu.memref_slice %arg6[%arg0, %mul3A_112, %dma_start3A_116] : memref<2x10112x128xf32, #tpu.memory_space<hbm>> -> memref<1x64x128xf32, #tpu.memory_space<hbm>>
          %dma_start3A_118 = tpu.memref_squeeze %dma_start3A_117 : memref<1x64x128xf32, #tpu.memory_space<hbm>> -> memref<64x128xf32, #tpu.memory_space<hbm>>
          tpu.enqueue_dma source(%arg13 : memref<64x128xf32, #tpu.memory_space<vmem>>) target(%dma_start3A_118 : memref<64x128xf32, #tpu.memory_space<hbm>>) target_semaphore(%run_scoped3A : memref<!tpu.dma_semaphore, #tpu.memory_space<semaphore_mem>>)
          %dma_wait3A_119 = arith.constant 0 : i32
          %dma_wait3A_120 = tpu.memref_slice %arg6[%arg0, %mul3A_112, %dma_wait3A_119] : memref<2x10112x128xf32, #tpu.memory_space<hbm>> -> memref<1x64x128xf32, #tpu.memory_space<hbm>>
          %dma_wait3A_121 = tpu.memref_squeeze %dma_wait3A_120 : memref<1x64x128xf32, #tpu.memory_space<hbm>> -> memref<64x128xf32, #tpu.memory_space<hbm>>
          %dma_wait3A_122 = arith.constant 0 : i32
          %dma_wait3A_123 = tpu.memref_slice %arg6[%arg0, %mul3A_112, %dma_wait3A_122] : memref<2x10112x128xf32, #tpu.memory_space<hbm>> -> memref<1x64x128xf32, #tpu.memory_space<hbm>>
          %dma_wait3A_124 = tpu.memref_squeeze %dma_wait3A_123 : memref<1x64x128xf32, #tpu.memory_space<hbm>> -> memref<64x128xf32, #tpu.memory_space<hbm>>
          tpu.wait_dma2 semaphore(%run_scoped3A : memref<!tpu.dma_semaphore, #tpu.memory_space<semaphore_mem>>) src(%arg13 : memref<64x128xf32, #tpu.memory_space<vmem>>) dst(%dma_wait3A_124 : memref<64x128xf32, #tpu.memory_space<hbm>>)
          tpu.yield
        }) : () -> ()
      } else {
      }
    }
    %scan3A_61 = arith.constant 10 : i32
    return
  }
}

module attributes {stable_mosaic.version = 14 : i64} {
  func.func @_user_body(%arg0: i32, %arg1: memref<128x128xf32, #tpu.memory_space<vmem>>, %arg2: memref<4x128xf32, #tpu.memory_space<vmem>>, %arg3: memref<128x10000xf32, #tpu.memory_space<vmem>>, %arg4: memref<10000x128xf32, #tpu.memory_space<vmem>>, %arg5: memref<16x128xf32, #tpu.memory_space<vmem>>, %arg6: memref<4x16xf32, #tpu.memory_space<vmem>>, %arg7: memref<128x128xf32, #tpu.memory_space<vmem>>) attributes {dimension_semantics = [#tpu.dimension_semantics<arbitrary>], iteration_bounds = array<i64: 8>, scalar_prefetch = 0 : i64, scratch_operands = 0 : i64, tpu.core_type = #tpu.core_type<tc>, window_params = [{transform_indices = @transform_0, window_bounds = array<i64: 128, 128>}, {pipeline_mode = #tpu.pipeline_mode<synchronous>, transform_indices = @transform_1, window_bounds = array<i64: 4, 128>}, {transform_indices = @transform_2, window_bounds = array<i64: 128, 10000>}, {pipeline_mode = #tpu.pipeline_mode<synchronous>, transform_indices = @transform_3, window_bounds = array<i64: 10000, 128>}, {pipeline_mode = #tpu.pipeline_mode<synchronous>, transform_indices = @transform_4, window_bounds = array<i64: 16, 128>}, {pipeline_mode = #tpu.pipeline_mode<synchronous>, transform_indices = @transform_5, window_bounds = array<i64: 4, 16>}, {transform_indices = @transform_6, window_bounds = array<i64: 128, 128>}]} {
    %get3A = arith.constant 0 : index
    %get3A_0 = arith.constant 0 : index
    %get3A_1 = vector.load %arg1[%get3A, %get3A_0] : memref<128x128xf32, #tpu.memory_space<vmem>>, vector<128x128xf32>
    %get3A_2 = arith.constant 0 : index
    %get3A_3 = arith.constant 0 : index
    %get3A_4 = vector.load %arg2[%get3A_2, %get3A_3] : memref<4x128xf32, #tpu.memory_space<vmem>>, vector<4x128xf32>
    %dot_general3A = arith.constant dense<0.000000e+00> : vector<128x4xf32>
    %dot_general3A_5 = tpu.matmul %get3A_1, %get3A_4, %dot_general3A {dimension_numbers = #tpu.dot_dimension_numbers<[1], [1], [0], [0], [0, 0, 1, 0], [], []>, transpose_lhs_hint = false} : vector<128x128xf32>, vector<4x128xf32>, vector<128x4xf32> -> vector<128x4xf32>
    %reduce_max3A = arith.constant dense<0xFF800000> : vector<128xf32>
    %reduce_max3A_6 = vector.multi_reduction <maximumf>, %dot_general3A_5, %reduce_max3A [1] : vector<128x4xf32> to vector<128xf32>
    %max3A = arith.constant 0xFF800000 : f32
    %max3A_7 = vector.broadcast %max3A : f32 to vector<128xf32>
    %max3A_8 = arith.maximumf %max3A_7, %reduce_max3A_6 : vector<128xf32>
    %broadcast_in_dim3A = vector.shape_cast %max3A_8 : vector<128xf32> to vector<128x1xf32>
    %sub3A = vector.broadcast %broadcast_in_dim3A : vector<128x1xf32> to vector<128x4xf32>
    %sub3A_9 = arith.subf %dot_general3A_5, %sub3A : vector<128x4xf32>
    %exp3A = math.exp %sub3A_9 : vector<128x4xf32>
    %reduce_sum3A = arith.constant dense<0.000000e+00> : vector<128xf32>
    %reduce_sum3A_10 = vector.multi_reduction <add>, %exp3A, %reduce_sum3A [1] : vector<128x4xf32> to vector<128xf32>
    %broadcast_in_dim3A_11 = vector.shape_cast %reduce_sum3A_10 : vector<128xf32> to vector<128x1xf32>
    %div3A = vector.broadcast %broadcast_in_dim3A_11 : vector<128x1xf32> to vector<128x4xf32>
    %div3A_12 = arith.divf %exp3A, %div3A : vector<128x4xf32>
    %get3A_13 = arith.constant 0 : index
    %get3A_14 = arith.constant 0 : index
    %get3A_15 = vector.load %arg6[%get3A_13, %get3A_14] : memref<4x16xf32, #tpu.memory_space<vmem>>, vector<4x16xf32>
    %reduce_max3A_16 = arith.constant dense<0xFF800000> : vector<4xf32>
    %reduce_max3A_17 = vector.multi_reduction <maximumf>, %get3A_15, %reduce_max3A_16 [1] : vector<4x16xf32> to vector<4xf32>
    %max3A_18 = arith.constant 0xFF800000 : f32
    %max3A_19 = vector.broadcast %max3A_18 : f32 to vector<4xf32>
    %max3A_20 = arith.maximumf %max3A_19, %reduce_max3A_17 : vector<4xf32>
    %broadcast_in_dim3A_21 = vector.shape_cast %max3A_20 : vector<4xf32> to vector<4x1xf32>
    %sub3A_22 = vector.broadcast %broadcast_in_dim3A_21 : vector<4x1xf32> to vector<4x16xf32>
    %sub3A_23 = arith.subf %get3A_15, %sub3A_22 : vector<4x16xf32>
    %exp3A_24 = math.exp %sub3A_23 : vector<4x16xf32>
    %reduce_sum3A_25 = arith.constant dense<0.000000e+00> : vector<4xf32>
    %reduce_sum3A_26 = vector.multi_reduction <add>, %exp3A_24, %reduce_sum3A_25 [1] : vector<4x16xf32> to vector<4xf32>
    %broadcast_in_dim3A_27 = vector.shape_cast %reduce_sum3A_26 : vector<4xf32> to vector<4x1xf32>
    %div3A_28 = vector.broadcast %broadcast_in_dim3A_27 : vector<4x1xf32> to vector<4x16xf32>
    %div3A_29 = arith.divf %exp3A_24, %div3A_28 : vector<4x16xf32>
    %get3A_30 = arith.constant 0 : index
    %get3A_31 = arith.constant 0 : index
    %get3A_32 = vector.load %arg5[%get3A_30, %get3A_31] : memref<16x128xf32, #tpu.memory_space<vmem>>, vector<16x128xf32>
    %dot_general3A_33 = arith.constant dense<0.000000e+00> : vector<4x128xf32>
    %dot_general3A_34 = tpu.matmul %div3A_29, %get3A_32, %dot_general3A_33 {dimension_numbers = #tpu.dot_dimension_numbers<[1], [0], [0], [1], [0, 0, 1, 1], [], []>, transpose_lhs_hint = false} : vector<4x16xf32>, vector<16x128xf32>, vector<4x128xf32> -> vector<4x128xf32>
    %dot_general3A_35 = arith.constant dense<0.000000e+00> : vector<128x128xf32>
    %dot_general3A_36 = tpu.matmul %div3A_12, %dot_general3A_34, %dot_general3A_35 {dimension_numbers = #tpu.dot_dimension_numbers<[1], [0], [0], [1], [0, 0, 1, 1], [], []>, transpose_lhs_hint = false} : vector<128x4xf32>, vector<4x128xf32>, vector<128x128xf32> -> vector<128x128xf32>
    %get3A_37 = arith.constant 0 : index
    %get3A_38 = arith.constant 0 : index
    %get3A_39 = vector.load %arg3[%get3A_37, %get3A_38] : memref<128x10000xf32, #tpu.memory_space<vmem>>, vector<128x10000xf32>
    %get3A_40 = arith.constant 0 : index
    %get3A_41 = arith.constant 0 : index
    %get3A_42 = vector.load %arg4[%get3A_40, %get3A_41] : memref<10000x128xf32, #tpu.memory_space<vmem>>, vector<10000x128xf32>
    %dot_general3A_43 = arith.constant dense<0.000000e+00> : vector<128x128xf32>
    %dot_general3A_44 = tpu.matmul %get3A_39, %get3A_42, %dot_general3A_43 {dimension_numbers = #tpu.dot_dimension_numbers<[1], [0], [0], [1], [0, 0, 1, 1], [], []>, transpose_lhs_hint = false} : vector<128x10000xf32>, vector<10000x128xf32>, vector<128x128xf32> -> vector<128x128xf32>
    %mul3A = arith.mulf %dot_general3A_44, %dot_general3A_36 : vector<128x128xf32>
    %add3A = arith.addf %mul3A, %dot_general3A_44 : vector<128x128xf32>
    %swap3A = arith.constant 0 : index
    %swap3A_45 = arith.constant 0 : index
    %swap3A_46 = vector.load %arg7[%swap3A, %swap3A_45] : memref<128x128xf32, #tpu.memory_space<vmem>>, vector<128x128xf32>
    tpu.vector_store %arg7[%swap3A, %swap3A_45], %add3A {strides = array<i32>} : memref<128x128xf32, #tpu.memory_space<vmem>>, vector<128x128xf32>,
    return
  }
  func.func @transform_0(%arg0: i32) -> (i32, i32) {
    %c0_i32 = arith.constant 0 : i32
    %c0_i32_0 = arith.constant 0 : i32
    return %arg0, %c0_i32 : i32, i32
  }
  func.func @transform_1(%arg0: i32) -> (i32, i32) {
    %c0_i32 = arith.constant 0 : i32
    %c0_i32_0 = arith.constant 0 : i32
    %c0_i32_1 = arith.constant 0 : i32
    return %c0_i32, %c0_i32_0 : i32, i32
  }
  func.func @transform_2(%arg0: i32) -> (i32, i32) {
    %c0_i32 = arith.constant 0 : i32
    %c0_i32_0 = arith.constant 0 : i32
    return %arg0, %c0_i32 : i32, i32
  }
  func.func @transform_3(%arg0: i32) -> (i32, i32) {
    %c0_i32 = arith.constant 0 : i32
    %c0_i32_0 = arith.constant 0 : i32
    %c0_i32_1 = arith.constant 0 : i32
    return %c0_i32, %c0_i32_0 : i32, i32
  }
  func.func @transform_4(%arg0: i32) -> (i32, i32) {
    %c0_i32 = arith.constant 0 : i32
    %c0_i32_0 = arith.constant 0 : i32
    %c0_i32_1 = arith.constant 0 : i32
    return %c0_i32, %c0_i32_0 : i32, i32
  }
  func.func @transform_5(%arg0: i32) -> (i32, i32) {
    %c0_i32 = arith.constant 0 : i32
    %c0_i32_0 = arith.constant 0 : i32
    %c0_i32_1 = arith.constant 0 : i32
    return %c0_i32, %c0_i32_0 : i32, i32
  }
  func.func @transform_6(%arg0: i32) -> (i32, i32) {
    %c0_i32 = arith.constant 0 : i32
    %c0_i32_0 = arith.constant 0 : i32
    return %arg0, %c0_i32 : i32, i32
  }
}

module attributes {stable_mosaic.version = 14 : i64} {
  func.func @_combine_body(%arg0: i32, %arg1: memref<1264x128xf32, #tpu.memory_space<vmem>>, %arg2: memref<1264x128xf32, #tpu.memory_space<vmem>>, %arg3: memref<1264x128xf32, #tpu.memory_space<vmem>>, %arg4: memref<1264x128xf32, #tpu.memory_space<vmem>>, %arg5: memref<1264x128xf32, #tpu.memory_space<vmem>>) attributes {dimension_semantics = [#tpu.dimension_semantics<arbitrary>], iteration_bounds = array<i64: 8>, scalar_prefetch = 0 : i64, scratch_operands = 0 : i64, tpu.core_type = #tpu.core_type<tc>, window_params = [{transform_indices = @transform_0, window_bounds = array<i64: 1264, 128>}, {transform_indices = @transform_1, window_bounds = array<i64: 1264, 128>}, {transform_indices = @transform_2, window_bounds = array<i64: 1264, 128>}, {transform_indices = @transform_3, window_bounds = array<i64: 1264, 128>}, {transform_indices = @transform_4, window_bounds = array<i64: 1264, 128>}]} {
    %get3A = arith.constant 0 : index
    %get3A_0 = arith.constant 0 : index
    %get3A_1 = vector.load %arg3[%get3A, %get3A_0] : memref<1264x128xf32, #tpu.memory_space<vmem>>, vector<1264x128xf32>
    %get3A_2 = arith.constant 0 : index
    %get3A_3 = arith.constant 0 : index
    %get3A_4 = vector.load %arg4[%get3A_2, %get3A_3] : memref<1264x128xf32, #tpu.memory_space<vmem>>, vector<1264x128xf32>
    %add3A = arith.addf %get3A_1, %get3A_4 : vector<1264x128xf32>
    %max3A = arith.constant 1.000000e+00 : f32
    %max3A_5 = vector.broadcast %max3A : f32 to vector<1264x128xf32>
    %max3A_6 = arith.maximumf %add3A, %max3A_5 : vector<1264x128xf32>
    %get3A_7 = arith.constant 0 : index
    %get3A_8 = arith.constant 0 : index
    %get3A_9 = vector.load %arg1[%get3A_7, %get3A_8] : memref<1264x128xf32, #tpu.memory_space<vmem>>, vector<1264x128xf32>
    %get3A_10 = arith.constant 0 : index
    %get3A_11 = arith.constant 0 : index
    %get3A_12 = vector.load %arg2[%get3A_10, %get3A_11] : memref<1264x128xf32, #tpu.memory_space<vmem>>, vector<1264x128xf32>
    %add3A_13 = arith.addf %get3A_9, %get3A_12 : vector<1264x128xf32>
    %div3A = arith.divf %add3A_13, %max3A_6 : vector<1264x128xf32>
    %swap3A = arith.constant 0 : index
    %swap3A_14 = arith.constant 0 : index
    %swap3A_15 = vector.load %arg5[%swap3A, %swap3A_14] : memref<1264x128xf32, #tpu.memory_space<vmem>>, vector<1264x128xf32>
    tpu.vector_store %arg5[%swap3A, %swap3A_14], %div3A {strides = array<i32>} : memref<1264x128xf32, #tpu.memory_space<vmem>>, vector<1264x128xf32>,
    return
  }
  func.func @transform_0(%arg0: i32) -> (i32, i32) {
    %c0_i32 = arith.constant 0 : i32
    %c0_i32_0 = arith.constant 0 : i32
    return %arg0, %c0_i32 : i32, i32
  }
  func.func @transform_1(%arg0: i32) -> (i32, i32) {
    %c0_i32 = arith.constant 0 : i32
    %c0_i32_0 = arith.constant 0 : i32
    return %arg0, %c0_i32 : i32, i32
  }
  func.func @transform_2(%arg0: i32) -> (i32, i32) {
    %c0_i32 = arith.constant 0 : i32
    %c0_i32_0 = arith.constant 0 : i32
    return %arg0, %c0_i32 : i32, i32
  }
  func.func @transform_3(%arg0: i32) -> (i32, i32) {
    %c0_i32 = arith.constant 0 : i32
    %c0_i32_0 = arith.constant 0 : i32
    return %arg0, %c0_i32 : i32, i32
  }
  func.func @transform_4(%arg0: i32) -> (i32, i32) {
    %c0_i32 = arith.constant 0 : i32
    %c0_i32_0 = arith.constant 0 : i32
    return %arg0, %c0_i32 : i32, i32
  }
}

</mosaic_0001>

<sc_bundles>
// kernel: kernel.5.cloned.1.call-start
scs
__scs_entry_jumppad:
0x0: {  	(pc) =	sbr.rel $0x88, $3  }
0x1: {  	(tag) =	ssettag $0x0;
	lr =	simm.s32 $0x1  }
0x2: {  	[smem:$0x3F99] =	sst lr;
	_ =	strace $0xD0000000  }
0x3: {  	_ = 	snop  }
0x4: {  	_ = 	snop  }
0x5: {  	_ = 	snop  }
0x6: {  	_ = 	snop  }
0x7: {  	_ = 	snop  }
__scs_overlays_trampoline_lowered:
0x8: {  	[smem:$0x3FA8] =	sst s0  }
0x9: {  	[smem:$0x3FA9] =	sst s1  }
0xa: {  	[smem:$0x3FAA] =	sst s2  }
0xb: {  	[smem:$0x3FAB] =	sst s3  }
0xc: {  	[smem:$0x3FAC] =	sst s4  }
0xd: {  	[smem:$0x3FAD] =	sst s5  }
0xe: {  	[smem:$0x3FAE] =	sst s6  }
0xf: {  	[smem:$0x3FAF] =	sst s7  }
0x10: {  	[smem:$0x3FB0] =	sst s8  }
0x11: {  	[smem:$0x3FB1] =	sst s9;
	s0 =	simm.s32 @!p0 $0x0  }
0x12: {  	s1 =	sld [smem:$0x3F97];
	s0 =	simm.s32 @p0 $0x1  }
0x13: {  	[smem:$0x3FB2] =	sst s0;
	s0 =	simm.s32 @!p1 $0x0  }
0x14: {  	s2 =	sld [smem:$0x3F96];
	s0 =	simm.s32 @p1 $0x1  }
0x15: {  	[smem:$0x3FB3] =	sst s0;
	s0 =	simm.s32 @!p2 $0x0  }
0x16: {  	s3 =	sld [smem:$0x3FDB];
	s0 =	simm.s32 @p2 $0x1  }
0x17: {  	s4 =	simm.s32 $0x1BF5;
	[smem:$0x3FB5] =	sst s0  }
0x18: {  	s0 =	sld [smem:$0x3F98];
	_ =	swait.ge [sflag:s4], $0x0  }
0x19: {  	s7 =	sld [smem:$0x3F99]  }
0x1a: {  	s8 =	sadd.s32 $0xFFFFE003, lr  }
0x1b: {  	s9 =	sadd.s32 $0xFFFFFEF7, lr;
	s5 =	simm.s32 $0xFFFFFFFF;
	p2 =	slt.u32 s8, $0xFFFFF086  }
0x1c: {  	p1 =	slt.u32 s9, $0xF7A;
	s5 =	simm.s32 @!p2 $0x0  }
0x1d: {  	s5 =	simm.s32 @p1 $0x1;
	p0 =	seq.s32 s7, s2  }
0x1e: {  	s7 =	smul.u32 @!p0 $0xF7A, s2;
	p2 =	seq.s32 @!p0 s5, $0x0  }
0x1f: {  	s9 =	smul.u32 $0xF7A, s1;
	s8 =	simm.s32 @!p0 $0x1BF5;
	p2 =	por !p2, p0  }
0x20: {  	[sflag:s8] =	ssyncset.s32 @!p0 $0xFFFFF086;
	s6 =	sadd.s32 @!p0 s3, s7;
	s7 =	simm.s32 @!p0 $0x108  }
0x21: {  	s3 =	sadd.s32 s3, s9;
	s6 =	sadd.s32 @!p0 $0x88, s6;
	s7 =	simm.s32 @p2 $0x1082  }
0x22: {  	[simem:s7], [sflag:s8] =	dma.local @!p0 [hbm:s6], $0xF7A  }
0x23: {  	s9 =	sor.u32 $0xD0000000, s2;
	s6 =	simm.s32 $0x108;
	_ =	swait.ge @!p0 [sflag:s8], $0x0  }
0x24: {  	s3 =	sadd.s32 $0x88, s3;
	s6 =	simm.s32 @!p1 $0x1082;
	[sflag:s4] =	ssyncset.s32 $0xFFFFF086  }
0x25: {  	[simem:s6], [sflag:s4] =	dma.local [hbm:s3], $0xF7A  }
0x26: {  	[smem:$0x3F99] =	sst s1;
	(tag) =	ssettag s2;
	_ =	strace s9  }
0x27: {  	s1 =	sld [smem:$0x3FA9]  }
0x28: {  	s2 =	sld [smem:$0x3FAA]  }
0x29: {  	s4 =	sld [smem:$0x3FAC]  }
0x2a: {  	p0 =	seq.s32 s5, $0x0;
	s5 =	sld [smem:$0x3FAD]  }
0x2b: {  	s6 =	sld [smem:$0x3FAE]  }
0x2c: {  	s7 =	sld [smem:$0x3FAF]  }
0x2d: {  	s3 =	simm.s32 $0x108;
	s8 =	sld [smem:$0x3FB0]  }
0x2e: {  	s3 =	simm.s32 @!p0 $0x1082;
	s9 =	sld [smem:$0x3FB1]  }
0x2f: {  	lr =	sadd.s32 s0, s3;
	s0 =	sld [smem:$0x3FA8]  }
0x30: {  	s3 =	sld [smem:$0x3FAB]  }
0x31: {  	[smem:$0x3FB4] =	sst s10  }
0x32: {  	s10 =	sld [smem:$0x3FB2];
	_ =	sdelay $0x3  }
0x33: {  	p0 =	seq.s32 s10, $0x1;
	s10 =	sld [smem:$0x3FB4];
	_ =	sdelay $0x3  }
0x34: {  	[smem:$0x3FB4] =	sst s10  }
0x35: {  	s10 =	sld [smem:$0x3FB3];
	_ =	sdelay $0x3  }
0x36: {  	p1 =	seq.s32 s10, $0x1;
	s10 =	sld [smem:$0x3FB4];
	_ =	sdelay $0x3  }
0x37: {  	[smem:$0x3FB4] =	sst s10  }
0x38: {  	s10 =	sld [smem:$0x3FB5]  }
0x39: {  	_ = 	snop;
	(pc) =	sbr.ind lr, $3  }
0x3a: {  	_ = 	snop  }
0x3b: {  	_ = 	snop  }
0x3c: {  	p2 =	seq.s32 s10, $0x1;
	s10 =	sld [smem:$0x3FB4]  }
0x3d: {  	_ =	shalt  }
0x3e: {  	_ =	shalt  }
0x3f: {  	_ =	shalt  }
0x40: {  	_ =	shalt  }
0x41: {  	_ =	shalt  }
0x42: {  	_ =	shalt  }
0x43: {  	_ =	shalt  }
0x44: {  	_ =	shalt  }
0x45: {  	_ =	shalt  }
0x46: {  	_ =	shalt  }
0x47: {  	_ =	shalt  }
0x48: {  	_ =	shalt  }
0x49: {  	_ =	shalt  }
0x4a: {  	_ =	shalt  }
0x4b: {  	_ =	shalt  }
0x4c: {  	_ =	shalt  }
0x4d: {  	_ =	shalt  }
0x4e: {  	_ =	shalt  }
0x4f: {  	_ =	shalt  }
0x50: {  	_ =	shalt  }
0x51: {  	_ =	shalt  }
0x52: {  	_ =	shalt  }
0x53: {  	_ =	shalt  }
0x54: {  	_ =	shalt  }
0x55: {  	_ =	shalt  }
0x56: {  	_ =	shalt  }
0x57: {  	_ =	shalt  }
0x58: {  	_ =	shalt  }
0x59: {  	_ =	shalt  }
0x5a: {  	_ =	shalt  }
0x5b: {  	_ =	shalt  }
0x5c: {  	_ =	shalt  }
0x5d: {  	_ =	shalt  }
0x5e: {  	_ =	shalt  }
0x5f: {  	_ =	shalt  }
0x60: {  	_ =	shalt  }
0x61: {  	_ =	shalt  }
0x62: {  	_ =	shalt  }
0x63: {  	_ =	shalt  }
0x64: {  	_ =	shalt  }
0x65: {  	_ =	shalt  }
0x66: {  	_ =	shalt  }
0x67: {  	_ =	shalt  }
0x68: {  	_ =	shalt  }
0x69: {  	_ =	shalt  }
0x6a: {  	_ =	shalt  }
0x6b: {  	_ =	shalt  }
0x6c: {  	_ =	shalt  }
0x6d: {  	_ =	shalt  }
0x6e: {  	_ =	shalt  }
0x6f: {  	_ =	shalt  }
0x70: {  	_ =	shalt  }
0x71: {  	_ =	shalt  }
0x72: {  	_ =	shalt  }
0x73: {  	_ =	shalt  }
0x74: {  	_ =	shalt  }
0x75: {  	_ =	shalt  }
0x76: {  	_ =	shalt  }
0x77: {  	_ =	shalt  }
0x78: {  	_ =	shalt  }
0x79: {  	_ =	shalt  }
0x7a: {  	_ =	shalt  }
0x7b: {  	_ =	shalt  }
0x7c: {  	_ =	shalt  }
0x7d: {  	_ =	shalt  }
0x7e: {  	_ =	shalt  }
0x7f: {  	_ =	shalt  }
0x80: {  	_ =	shalt  }
0x81: {  	_ =	shalt  }
0x82: {  	_ =	shalt  }
0x83: {  	_ =	shalt  }
0x84: {  	_ =	shalt  }
0x85: {  	_ =	shalt  }
0x86: {  	_ =	shalt  }
0x87: {  	_ =	shalt  }
.Lfunc_end0:
.L_simem_size_0:
called_computation_lowered:
.L_overlay_start_0:
0x88: {  	s2 =	sld [smem:$0x3FD9]  }
0x89: {  	s3 =	sld [smem:$0x3FFE];
	_ =	sdelay $0x1  }
0x8a: {  	s1 =	srdreg.scid  }
0x8b: {  	s0 =	sand.u32 $0x1, s1  }
0x8c: {  	s17 =	sshll.u32 s0, $0xA;
	s2 =	sadd.s32 s3, s2  }
0x8d: {  	s2 =	sadd.s32 s2, s17  }
0x8e: {  	[smem:$0x3FC0] =	sst s2  }
0x8f: {  	_ = 	snop  }
0x90: {  	s2 =	sld [smem:$0x3FC9]  }
0x91: {  	s18 =	sld [smem:$0x3FC3];
	(tm) =	ssettm $0x1  }
0x92: {  	s4 =	sld [smem:$0x3FFB];
	_ =	sdelay $0x3  }
0x93: {  	_ =	strace s4  }
0x94: {  	s4 =	sld [smem:$0x3FFC];
	_ =	sdelay $0x3  }
0x95: {  	_ =	strace s4  }
0x96: {  	s4 =	sld [smem:$0x3FFD];
	_ =	sdelay $0x3  }
0x97: {  	_ =	strace s4  }
0x98: {  	_ =	strace $0x8FFFFFFF  }
0x99: {  	s19 =	sld [smem:$0x3FDB];
	_ =	sdelay $0x1  }
0x9a: {  	s5 =	simm.s32 $_scs_section_size  }
0x9b: {  	s6 =	simm.s32 $_size__tile_overlayer_lowered;
	s7 =	simm.s32 $_tile_overlayer_lowered  }
0x9c: {  	s22 =	simm.s32 $0x1BFF;
	s21 =	sshll.u32 s7, $0x1;
	s4 =	sadd.s32 s5, s19  }
0x9d: {  	s8 =	simm.s32 $0x0;
	s20 =	sshll.u32 s6, $0x1;
	s6 =	sadd.s32 s21, s4  }
0x9e: {  	[timem:s8], [sflag:s22] =	dma.local [hbm:s6], s20  }
0x9f: {  	_ =	swait.ge [sflag:s22], s20  }
0xa0: {  	s5 =	ssub.s32 $0x0, s20;
	[sflag:s22] =	ssyncset.done $0x0  }
0xa1: {  	[sflag:s22] =	ssyncadd.s32 s5;
	_ =	sdelay $0x1  }
0xa2: {  	s23 =	simm.s32 $0x1B8B  }
0xa3: {  	_ =	swait.ge [sflag:s23], $0x1  }
0xa4: {  	[sflag:s23] =	ssyncset.done $0x0  }
0xa5: {  	s25 =	simm.s32 $0x1B8E;
	s24 =	sld [smem:$0x3FFE];
	[sflag:s23] =	ssyncadd.s32 $0xFFFFFFFF  }
0xa6: {  	s26 =	simm.s32 $execute0_lowered;
	[smem:$0x3FD2] =	sst s25  }
0xa7: {  	s6 =	sshll.u32 s26, $0x1;
	_ =	strace $0x80000046;
	[dreg:$0x1] =	wrdreg $0xFFFFFFFF  }
0xa8: {  	s28 =	simm.s32 $_size_execute0_lowered;
	s4 =	sadd.s32 s4, s6;
	[dreg:$0x0] =	wrdreg $0x0  }
0xa9: {  	s6 =	sshll.u32 s28, $0x1;
	[dreg:$0x2] =	wrdreg s4  }
0xaa: {  	[dreg:$0x3] =	wrdreg s6  }
0xab: {  	[dreg:$0x4] =	wrdreg $0xC0  }
0xac: {  	_ =	task [dreg:s8], $0x5FFFF  }
0xad: {  	[dreg:$0x1] =	wrdreg $0xFFFFFFFF  }
0xae: {  	[dreg:$0x0] =	wrdreg $0x60  }
0xaf: {  	[dreg:$0x2] =	wrdreg s2  }
0xb0: {  	[dreg:$0x3] =	wrdreg s18  }
0xb1: {  	[dreg:$0x4] =	wrdreg s24  }
0xb2: {  	[dreg:$0x5] =	wrdreg $0x0  }
0xb3: {  	[dreg:$0x6] =	wrdreg $0x13C000  }
0xb4: {  	[dreg:$0x7] =	wrdreg $0x9  }
0xb5: {  	_ =	task.clear_ibuf [dreg:s8], $0x8FFFF;
	_ =	strace $0x90000046  }
0xb6: {  	s29 =	simm.s32 $0x9;
	_ =	strace $0x80000048  }
0xb7: {  	_ =	swait.ge [sflag:s29], $0x1  }
0xb8: {  	[sflag:s29] =	ssyncadd.s32 $0xFFFFFFFF  }
0xb9: {  	_ =	strace $0x90000048  }
0xba: {  	_ =	sfence  }
0xbb: {  	s30 =	sld [smem:$0x0];
	_ =	sdelay $0x2  }
0xbc: {  	s31 =	sshll.u32 s1, $0xD;
	s1 =	sshrl.u32 s1, $0x2  }
0xbd: {  	s3 =	sand.u32 $0x4000, s31;
	s1 =	sadd.s32 s1, s30  }
0xbe: {  	s0 =	sor.u32 s3, s0;
	s1 =	sshll.u32 s1, $0x11  }
0xbf: {  	s0 =	sor.u32 s1, s0  }
0xc0: {  	s0 =	sadd.s32 $0x8F2B, s0  }
0xc1: {  	[sflag:s0] =	ssyncadd.remote.s32 $0x1  }
0xc2: {  	_ =	sfence.sel $0xFFFF  }
0xc3: {  	[dreg:$0x0] =	wrdreg $0xFFFFFFFF;
	(pc) =	sbr.abs _section_cstart, $3  }
0xc4: {  	[dreg:$0x1] =	wrdreg $0xFFFFFFFF  }
0xc5: {  	_ =	task.clear_ibuf [dreg:s8], $0x2FFFF;
	_ =	strace $0x9FFFFFFF  }
0xc6: {  	(tm) =	ssettm $0x7FFFFFFF  }
0xc7: {  	_ =	shalt  }
tec
execute0_lowered:
.L_overlay_start_1:
0x0: {  	(tag) =	ssettag $0x1  }
0x1: {  	s1 =	rddreg [dreg:$0x0]  }
0x2: {  	s0 =	rddreg [dreg:$0x2]  }
0x3: {  	s3 =	rddreg [dreg:$0x3]  }
0x4: {  	s4 =	rddreg [dreg:$0x4]  }
0x5: {  	s13 =	simm.s32 $0x0;
	s2 =	srdreg.scid;
	s6 =	stileid.u32  }
0x6: {  	s17 =	simm.s32 $0x13C80;
	s18 =	simm.s32 $0x5;
	s19 =	simm.s32 $0x40  }
0x7: {  	s28 =	simm.s32 $0x2;
	s29 =	simm.s32 $0x4;
	s30 =	simm.s32 $0x13E80  }
0x8: {  	s31 =	simm.s32 $0x16180;
	[smem:$0x7FF] =	sst s13;
	s2 =	sand.u32 $0x1, s2  }
0x9: {  	s7 =	sadd.s32 $0x1400, s0;
	s8 =	sshll.u32 s6, $0xD;
	s20 =	sshll.u32 s6, $0x1  }
0xa: {  	s11 =	sshll.u32 s6, $0x6;
	s24 =	sshll.u32 s6, $0x7;
	p0 =	sne.s32 s6, $0x0  }
0xb: {  	s5 =	smul.u32 $0x13C000, s2;
	s9 =	ssub.s32 $0x2, s2;
	s23 =	sor.u32 $0x30, s11  }
0xc: {  	_ =	strace $0x80000047;
	s10 =	sshrl.u32 s9, $0x1;
	[dreg:$0x8] =	wrdreg s23  }
0xd: {  	s23 =	simm.s32 $0x18180;
	s5 =	sadd.s32 s8, s5;
	s8 =	sor.u32 s2, s20  }
0xe: {  	s9 =	ssub.s32 s9, s10;
	s2 =	sshll.u32 s2, $0x6;
	s20 =	simm.s32 $0x13D00  }
0xf: {  	s5 =	sshrl.u32 s5, $0x3;
	s21 =	sshll.u32 s8, $0x6;
	s22 =	smax.u32 s9, $0x1  }
0x10: {  	s5 =	sadd.s32 s5, s0;
	s10 =	sadd.s32 s7, s21;
	[dreg:$0x7] =	wrdreg s22  }
0x11: {  	s21 =	simm.s32 $0x14180;
	s22 =	simm.s32 $0x13D80;
	[dreg:$0x6] =	wrdreg s10  }
0x12: {  	s10 =	sadd.s32 $0x1C00, s0;
	s25 =	sadd.s32 $0x4F600, s5;
	s0 =	sadd.s32 s24, s7  }
0x13: {  	s26 =	sadd.s32 $0x9E600, s5;
	[dreg:$0x9] =	wrdreg s25;
	s0 =	sadd.s32 s2, s0  }
0x14: {  	s24 =	simm.s32 $0x1;
	[dreg:$0xa] =	wrdreg s0;
	s0 =	simm.s32 @!p0 $0x0  }
0x15: {  	[dreg:$0xb] =	wrdreg s26;
	s25 =	simm.s32 $0x3;
	s0 =	simm.s32 @p0 $0x1  }
0x16: {  	v0 =	vimm.f32 $0.0e+00;
	v1 =	vimm.f32 $1.000000000e+00;
	s26 =	simm.s32 $0x6;
	[smem:$0x7FD] =	sst s0;
	s0 =	simm.s32 $0x0  }
.LBB2_1:
0x17: {  	s2 =	simm.s32 $0x0;
	s5 =	simm.s32 $0x200  }
.LBB2_2:
0x18: {  	p0 =	sne.s32 s5, $0x7E00;
	[tilespmem:s2+$0x141F0] =	vst v0  }
0x19: {  	[tilespmem:s2+$0x14180] =	vst v0  }
0x1a: {  	[tilespmem:s2+$0x14190] =	vst v0  }
.Ltmp0:
0x1b: {  	[tilespmem:s2+$0x141A0] =	vst v0;
	(pc) =	sbr.rel @p0 .LBB2_2-.Ltmp0, $4  }
0x1c: {  	[tilespmem:s2+$0x141B0] =	vst v0  }
0x1d: {  	[tilespmem:s2+$0x141C0] =	vst v0  }
0x1e: {  	[tilespmem:s2+$0x141D0] =	vst v0  }
0x1f: {  	[tilespmem:s2+$0x141E0] =	vst v0;
	s2 =	sshra.s32 s5, $0x2;
	s5 =	sadd.s32 $0x200, s5  }
0x20: {  	[tilespmem:s2+$0x141F0] =	vst v0  }
0x21: {  	[tilespmem:s2+$0x14180] =	vst v0  }
0x22: {  	[tilespmem:s2+$0x14190] =	vst v0  }
0x23: {  	[tilespmem:s2+$0x141A0] =	vst v0  }
0x24: {  	[tilespmem:s2+$0x141B0] =	vst v0;
	s5 =	sadd.s32 $0x0, s6  }
0x25: {  	[tilespmem:s2+$0x141C0] =	vst v0;
	s14 =	rddreg [dreg:$0x8];
	p0 =	sgt.u32 s5, $0x9D  }
0x26: {  	[tilespmem:s2+$0x141D0] =	vst v0;
	s5 =	sadd.s32 @!p0 $0xFFFFFFD0, s14;
	v2 =	vlaneseq.u32 @!p0  }
0x27: {  	[tilespmem:s2+$0x141E0] =	vst v0;
	v3 =	vor.u32 @!p0 s5, v2  }
0x28: {  	s2 =	sadd.s32 @!p0 $0xFFFFFFF0, s14;
	p1 =	por p0, p0;
	v4 =	vor.u32 @!p0 s14, v2;
	[tilespmem:$0x14100] =	vst @!p0 v3  }
0x29: {  	s9 =	sadd.s32 $0x10, s6;
	s5 =	sadd.s32 @!p0 $0xFFFFFFE0, s14;
	v3 =	vor.u32 @!p0 s2, v2;
	[tilespmem:$0x14130] =	vst @!p1 v4  }
0x2a: {  	s12 =	simm.s32 $0x20;
	s15 =	simm.s32 @!p1 $0x14100;
	s16 =	simm.s32 @!p1 $0x14180;
	v2 =	vor.u32 @!p0 s5, v2;
	[tilespmem:$0x14120] =	vst @!p1 v3  }
0x2b: {  	s2 =	simm.s32 @!p0 $0x5;
	s5 =	sadd.s32 $0x400, s14;
	s14 =	simm.s32 @!p1 $0x40;
	[tilespmem:$0x14110] =	vst @!p1 v2  }
.LBB2_4:
0x2c: {  	[spmem:s3] =	stream.indirect.scatter @!p1 [tilespmem:s16], [sflag:$0x5], $0x80, s15, s14, $0xb8;
	[tilespmem:$0x1C180] =	vst v63  }
0x2d: {  	p0 =	sgt.u32 s9, $0x9D  }
0x2e: {  	s9 =	sadd.s32 s12, s6;
	s12 =	sadd.s32 $0x10, s12;
	_ =	swait.ge @!p1 [sflag:s2], $0x2000  }
0x2f: {  	s14 =	sadd.s32 @!p0 $0xFFFFFFD0, s5;
	v2 =	vlaneseq.u32 @!p0;
	s15 =	sadd.s32 @!p0 $0xFFFFFFE0, s5;
	[sflag:s2] =	ssyncset.done @!p1 $0x0  }
0x30: {  	v3 =	vor.u32 @!p0 s14, v2;
	v4 =	vor.u32 @!p0 s15, v2;
	s14 =	sadd.s32 @!p0 $0xFFFFFFF0, s5;
	[sflag:s2] =	ssyncadd.s32 @!p1 $0xFFFFE000;
	s2 =	simm.s32 @!p0 $0x5  }
0x31: {  	p1 =	por p0, p0;
	[tilespmem:$0x14100] =	vst @!p0 v3;
	v3 =	vor.u32 @!p0 s14, v2;
	v2 =	vor.u32 @!p0 s5, v2;
	p0 =	sne.s32 s12, $0xA0  }
.Ltmp1:
0x32: {  	_ = 	snop;
	(pc) =	sbr.rel @p0 .LBB2_4-.Ltmp1, $4  }
0x33: {  	_ = 	snop  }
0x34: {  	[tilespmem:$0x14120] =	vst @!p1 v3  }
0x35: {  	s5 =	sadd.s32 $0x400, s5;
	[tilespmem:$0x14130] =	vst @!p1 v2  }
0x36: {  	s14 =	simm.s32 @!p1 $0x40;
	s15 =	simm.s32 @!p1 $0x14100;
	s16 =	simm.s32 @!p1 $0x14180;
	[tilespmem:$0x14110] =	vst @!p1 v4  }
0x37: {  	[spmem:s3] =	stream.indirect.scatter @!p1 [tilespmem:s16], [sflag:$0x5], $0x80, s15, s14, $0xb8;
	[tilespmem:$0x1C180] =	vst v63  }
0x38: {  	p0 =	sgt.u32 s9, $0x9D;
	_ =	swait.ge @!p1 [sflag:s2], $0x2000  }
0x39: {  	s9 =	sadd.s32 @!p0 $0xFFFFFFD0, s5;
	v2 =	vlaneseq.u32 @!p0;
	[sflag:s2] =	ssyncset.done @!p1 $0x0  }
0x3a: {  	v3 =	vor.u32 @!p0 s9, v2;
	[sflag:s2] =	ssyncadd.s32 @!p1 $0xFFFFE000  }
0x3b: {  	s9 =	sadd.s32 @!p0 $0xFFFFFFF0, s5;
	v4 =	vor.u32 @!p0 s5, v2;
	p1 =	por p0, p0;
	[tilespmem:$0x14100] =	vst @!p0 v3  }
0x3c: {  	s2 =	sadd.s32 @!p0 $0xFFFFFFE0, s5;
	v3 =	vor.u32 @!p0 s9, v2;
	[tilespmem:$0x14130] =	vst @!p1 v4  }
0x3d: {  	v2 =	vor.u32 @!p0 s2, v2;
	s2 =	simm.s32 @!p0 $0x5;
	[tilespmem:$0x14120] =	vst @!p1 v3  }
0x3e: {  	s5 =	simm.s32 @!p1 $0x40;
	s9 =	simm.s32 @!p1 $0x14100;
	s12 =	simm.s32 @!p1 $0x14180;
	[tilespmem:$0x14110] =	vst @!p1 v2  }
0x3f: {  	[spmem:s3] =	stream.indirect.scatter @!p1 [tilespmem:s12], [sflag:$0x5], $0x80, s9, s5, $0xb8;
	[tilespmem:$0x1C180] =	vst v63  }
0x40: {  	_ =	swait.ge @!p1 [sflag:s2], $0x2000  }
0x41: {  	s15 =	sld [smem:$0x7FD];
	_ =	sdelay $0x1  }
0x42: {  	[sflag:s2] =	ssyncset.done @!p1 $0x0  }
0x43: {  	[sflag:s2] =	ssyncadd.s32 @!p1 $0xFFFFE000;
	p0 =	seq.s32 s15, $0x1  }
0x44: {  	s9 =	rddreg [dreg:$0x1];
	s2 =	sshrl.u32 @!p0 s4, $0x3;
	s5 =	simm.s32 @!p0 $0x1C05  }
0x45: {  	[spmem:s2], [sflag:s5] =	dma.local @!p0 [hbm:s9], $0x100  }
0x46: {  	s2 =	simm.s32 @!p0 $0x5  }
0x47: {  	_ =	swait.ge @!p0 [sflag:s2], $0x100  }
0x48: {  	[sflag:s2] =	ssyncset.done @!p0 $0x0  }
0x49: {  	[sflag:s2] =	ssyncadd.s32 @!p0 $0xFFFFFF00  }
0x4a: {  	[bflag:$0x0] =	sbarrier.arrive $0xFFFF  }
0x4b: {  	s2 =	simm.s32 $0x0;
	s16 =	rddreg [dreg:$0x6]  }
0x4c: {  	[tilespmem:s17], [sflag:$0x5] =	stream.linear.gather [hbm4b:s16+s2], $0x180, $0x38;
	[tilespmem:$0x1C180] =	vst v63  }
0x4d: {  	_ =	swait.ge [sflag:s18], $0x180  }
.Ltmp2:
0x4e: {  	[sflag:s18] =	ssyncset.done $0x0;
	(pc) =	sbr.rel .LBB2_6-.Ltmp2, $4  }
0x4f: {  	[sflag:s18] =	ssyncadd.s32 $0xFFFFFE80  }
0x50: {  	[tilespmem:s21], [sflag:$0x1] =	stream.indirect.gather [hbm4b:s1+s19], $0x80, s20, s19, $0xb8;
	[tilespmem:$0x1C180] =	vst v63  }
0x51: {  	_ = 	snop  }
0x52: {  	[tilespmem:s23], [sflag:$0x3] =	stream.indirect.gather [spmem:s4], $0x80, s22, s19, $0xb8;
	[tilespmem:$0x1C180] =	vst v63  }
.LBB2_15:
0x53: {  	s2 =	sadd.s32 $0x1, s2  }
0x54: {  	p0 =	sne.s32 s2, $0x4F  }
.Ltmp3:
0x55: {  	_ = 	snop;
	(pc) =	sbr.rel @!p0 .LBB2_16-.Ltmp3, $1  }
0x56: {  	_ =	sdelay $0x3  }
.LBB2_6:
0x57: {  	s5 =	sshll.u32 s2, $0x6  }
0x58: {  	s5 =	sor.u32 s8, s5  }
0x59: {  	s9 =	sor.u32 $0x20, s5  }
0x5a: {  	p1 =	sgt.u32 s9, $0x1387  }
0x5b: {  	s12 =	sshll.u32 @!p1 s9, $0x6  }
0x5c: {  	s14 =	simm.s32 @!p1 $0x0;
	s15 =	simm.s32 @!p1 $0x13E80;
	s12 =	sadd.s32 @!p1 s7, s12  }
0x5d: {  	[tilespmem:s15], [sflag:$0x6] =	stream.linear.gather @!p1 [hbm4b:s12+s14], $0x180, $0x38;
	[tilespmem:$0x1C180] =	vst v63  }
0x5e: {  	s12 =	simm.s32 @!p1 $0x6  }
0x5f: {  	p0 =	sgt.u32 s5, $0x1387;
	_ =	swait.ge @!p1 [sflag:s12], $0x180  }
.Ltmp4:
0x60: {  	s14 =	simm.s32 @!p1 $0x13F00;
	[sflag:s12] =	ssyncset.done @!p1 $0x0;
	(pc) =	sbr.rel @p0 .LBB2_15-.Ltmp4, $4  }
0x61: {  	s15 =	simm.s32 @!p1 $0x16180;
	[sflag:s12] =	ssyncadd.s32 @!p1 $0xFFFFFE80;
	s12 =	simm.s32 @!p1 $0x40  }
0x62: {  	[tilespmem:s15], [sflag:$0x2] =	stream.indirect.gather @!p1 [hbm4b:s1+s12], $0x80, s14, s12, $0xb8;
	[tilespmem:$0x1C180] =	vst v63  }
0x63: {  	s14 =	simm.s32 @!p1 $0x13F80;
	s15 =	simm.s32 @!p1 $0x1A180  }
0x64: {  	[tilespmem:s15], [sflag:$0x4] =	stream.indirect.gather @!p1 [spmem:s4], $0x80, s14, s12, $0xb8;
	[tilespmem:$0x1C180] =	vst v63  }
0x65: {  	_ =	swait.ge [sflag:s24], $0x2000  }
0x66: {  	[sflag:s24] =	ssyncset.done $0x0  }
0x67: {  	[sflag:s24] =	ssyncadd.s32 $0xFFFFE000  }
0x68: {  	_ =	swait.ge [sflag:s25], $0x2000  }
0x69: {  	[sflag:s25] =	ssyncset.done $0x0  }
0x6a: {  	s12 =	simm.s32 $0x0;
	[sflag:s25] =	ssyncadd.s32 $0xFFFFE000  }
0x6b: {  	v9 =	vld [tilespmem:s12+$0x18180]  }
0x6c: {  	v13 =	vld [tilespmem:s12+$0x18190]  }
0x6d: {  	v7 =	vld [tilespmem:s12+$0x181A0]  }
0x6e: {  	v6 =	vld [tilespmem:s12+$0x181B0]  }
0x6f: {  	v5 =	vld [tilespmem:s12+$0x181C0]  }
0x70: {  	v4 =	vld [tilespmem:s12+$0x181D0]  }
0x71: {  	v3 =	vld [tilespmem:s12+$0x181E0]  }
0x72: {  	v2 =	vld [tilespmem:s12+$0x181F0]  }
0x73: {  	v14 =	vld [tilespmem:s12+$0x14180]  }
0x74: {  	v15 =	vld [tilespmem:s12+$0x14190]  }
0x75: {  	v12 =	vld [tilespmem:s12+$0x141A0]  }
0x76: {  	v11 =	vld [tilespmem:s12+$0x141B0]  }
0x77: {  	v10 =	vld [tilespmem:s12+$0x141C0]  }
0x78: {  	v8 =	vld [tilespmem:s12+$0x141D0];
	v14 =	vmul.f32 v9, v14  }
0x79: {  	s5 =	simm.s32 $0x200;
	v13 =	vmul.f32 v13, v15;
	v9 =	vld [tilespmem:s12+$0x141E0]  }
.LBB2_8:
0x7a: {  	s14 =	sshra.s32 s5, $0x2;
	p2 =	sne.s32 s5, $0x7E00;
	[tilespmem:s12+$0x14180] =	vst v14;
	v7 =	vmul.f32 v7, v12;
	v12 =	vld [tilespmem:s12+$0x141F0]  }
0x7b: {  	v14 =	vld [tilespmem:s14+$0x18180];
	[tilespmem:s12+$0x14190] =	vst v13;
	v6 =	vmul.f32 v6, v11  }
0x7c: {  	v13 =	vld [tilespmem:s14+$0x18190];
	[tilespmem:s12+$0x141A0] =	vst v7;
	v5 =	vmul.f32 v5, v10  }
0x7d: {  	v7 =	vld [tilespmem:s14+$0x181A0];
	[tilespmem:s12+$0x141B0] =	vst v6;
	v4 =	vmul.f32 v4, v8  }
0x7e: {  	v6 =	vld [tilespmem:s14+$0x181B0];
	[tilespmem:s12+$0x141C0] =	vst v5;
	v3 =	vmul.f32 v3, v9  }
0x7f: {  	v5 =	vld [tilespmem:s14+$0x181C0];
	[tilespmem:s12+$0x141D0] =	vst v4;
	v2 =	vmul.f32 v2, v12  }
0x80: {  	v4 =	vld [tilespmem:s14+$0x181D0];
	[tilespmem:s12+$0x141E0] =	vst v3  }
0x81: {  	v3 =	vld [tilespmem:s14+$0x181E0];
	[tilespmem:s12+$0x141F0] =	vst v2;
	s12 =	smov.u32 s14  }
0x82: {  	v2 =	vld [tilespmem:s12+$0x181F0]  }
0x83: {  	v8 =	vld [tilespmem:s12+$0x14180]  }
0x84: {  	v9 =	vld [tilespmem:s12+$0x14190]  }
.Ltmp5:
0x85: {  	v12 =	vld [tilespmem:s12+$0x141A0];
	(pc) =	sbr.rel @p2 .LBB2_8-.Ltmp5, $4  }
0x86: {  	v11 =	vld [tilespmem:s12+$0x141B0]  }
0x87: {  	v10 =	vld [tilespmem:s12+$0x141C0]  }
0x88: {  	v14 =	vmul.f32 v14, v8;
	v8 =	vld [tilespmem:s12+$0x141D0]  }
0x89: {  	s5 =	sadd.s32 $0x200, s5;
	v13 =	vmul.f32 v13, v9;
	v9 =	vld [tilespmem:s12+$0x141E0]  }
0x8a: {  	[tilespmem:s12+$0x14180] =	vst v14;
	v7 =	vmul.f32 v7, v12;
	v63 =	vld [tilespmem:s12+$0x141F0]  }
0x8b: {  	[tilespmem:s12+$0x14190] =	vst v13;
	v6 =	vmul.f32 v6, v11  }
0x8c: {  	[tilespmem:s12+$0x141A0] =	vst v7;
	v5 =	vmul.f32 v5, v10  }
0x8d: {  	[tilespmem:s12+$0x141B0] =	vst v6;
	v4 =	vmul.f32 v4, v8  }
0x8e: {  	[tilespmem:s12+$0x141C0] =	vst v5;
	v3 =	vmul.f32 v3, v9  }
0x8f: {  	[tilespmem:s12+$0x141D0] =	vst v4;
	v2 =	vmul.f32 v2, v63  }
0x90: {  	p0 =	sgt.u32 s9, $0x1367;
	[tilespmem:s12+$0x141E0] =	vst v3  }
.Ltmp6:
0x91: {  	[tilespmem:s12+$0x141F0] =	vst v2;
	(pc) =	sbr.rel @p0 .LBB2_11-.Ltmp6, $4  }
0x92: {  	[spmem:s3] =	stream.indirect.scatter.add.f32 [tilespmem:s21], [sflag:$0x6], $0x80, s17, s19, $0xb8;
	[tilespmem:$0x1C180] =	vst v63  }
0x93: {  	_ =	swait.ge [sflag:s26], $0x2000  }
0x94: {  	[sflag:s26] =	ssyncset.done $0x0  }
0x95: {  	[sflag:s26] =	ssyncadd.s32 $0xFFFFE000  }
0x96: {  	s5 =	sshll.u32 s9, $0x6  }
0x97: {  	s5 =	sadd.s32 s5, s10  }
0x98: {  	[tilespmem:s17], [sflag:$0x6] =	stream.linear.gather [hbm4b:s5+s13], $0x180, $0x38;
	[tilespmem:$0x1C180] =	vst v63  }
0x99: {  	_ =	swait.ge [sflag:s26], $0x180  }
.Ltmp7:
0x9a: {  	[sflag:s26] =	ssyncset.done $0x0;
	(pc) =	sbr.rel .LBB2_12-.Ltmp7, $4  }
0x9b: {  	[sflag:s26] =	ssyncadd.s32 $0xFFFFFE80  }
0x9c: {  	[tilespmem:s21], [sflag:$0x1] =	stream.indirect.gather [hbm4b:s1+s19], $0x80, s20, s19, $0xb8;
	[tilespmem:$0x1C180] =	vst v63  }
0x9d: {  	_ = 	snop  }
0x9e: {  	[tilespmem:s23], [sflag:$0x3] =	stream.indirect.gather [spmem:s4], $0x80, s22, s19, $0xb8;
	[tilespmem:$0x1C180] =	vst v63  }
.LBB2_11:
.Ltmp8:
0x9f: {  	(pc) =	sbr.rel @p1 .LBB2_15-.Ltmp8, $1  }
0xa0: {  	_ =	sdelay $0x3  }
.LBB2_12:
0xa1: {  	_ =	swait.ge [sflag:s28], $0x2000  }
0xa2: {  	[sflag:s28] =	ssyncset.done $0x0  }
0xa3: {  	[sflag:s28] =	ssyncadd.s32 $0xFFFFE000  }
0xa4: {  	_ =	swait.ge [sflag:s29], $0x2000  }
0xa5: {  	[sflag:s29] =	ssyncset.done $0x0  }
0xa6: {  	s9 =	simm.s32 $0x0;
	[sflag:s29] =	ssyncadd.s32 $0xFFFFE000  }
0xa7: {  	v9 =	vld [tilespmem:s9+$0x1A180]  }
0xa8: {  	v13 =	vld [tilespmem:s9+$0x1A190]  }
0xa9: {  	v7 =	vld [tilespmem:s9+$0x1A1A0]  }
0xaa: {  	v6 =	vld [tilespmem:s9+$0x1A1B0]  }
0xab: {  	v5 =	vld [tilespmem:s9+$0x1A1C0]  }
0xac: {  	v4 =	vld [tilespmem:s9+$0x1A1D0]  }
0xad: {  	v3 =	vld [tilespmem:s9+$0x1A1E0]  }
0xae: {  	v2 =	vld [tilespmem:s9+$0x1A1F0]  }
0xaf: {  	v14 =	vld [tilespmem:s9+$0x16180]  }
0xb0: {  	v15 =	vld [tilespmem:s9+$0x16190]  }
0xb1: {  	v12 =	vld [tilespmem:s9+$0x161A0]  }
0xb2: {  	v11 =	vld [tilespmem:s9+$0x161B0]  }
0xb3: {  	v10 =	vld [tilespmem:s9+$0x161C0]  }
0xb4: {  	v8 =	vld [tilespmem:s9+$0x161D0];
	v14 =	vmul.f32 v9, v14  }
0xb5: {  	s5 =	simm.s32 $0x200;
	v13 =	vmul.f32 v13, v15;
	v9 =	vld [tilespmem:s9+$0x161E0]  }
.LBB2_13:
0xb6: {  	s12 =	sshra.s32 s5, $0x2;
	p1 =	sne.s32 s5, $0x7E00;
	[tilespmem:s9+$0x16180] =	vst v14;
	v7 =	vmul.f32 v7, v12;
	v12 =	vld [tilespmem:s9+$0x161F0]  }
0xb7: {  	v14 =	vld [tilespmem:s12+$0x1A180];
	[tilespmem:s9+$0x16190] =	vst v13;
	v6 =	vmul.f32 v6, v11  }
0xb8: {  	v13 =	vld [tilespmem:s12+$0x1A190];
	[tilespmem:s9+$0x161A0] =	vst v7;
	v5 =	vmul.f32 v5, v10  }
0xb9: {  	v7 =	vld [tilespmem:s12+$0x1A1A0];
	[tilespmem:s9+$0x161B0] =	vst v6;
	v4 =	vmul.f32 v4, v8  }
0xba: {  	v6 =	vld [tilespmem:s12+$0x1A1B0];
	[tilespmem:s9+$0x161C0] =	vst v5;
	v3 =	vmul.f32 v3, v9  }
0xbb: {  	v5 =	vld [tilespmem:s12+$0x1A1C0];
	[tilespmem:s9+$0x161D0] =	vst v4;
	v2 =	vmul.f32 v2, v12  }
0xbc: {  	v4 =	vld [tilespmem:s12+$0x1A1D0];
	[tilespmem:s9+$0x161E0] =	vst v3  }
0xbd: {  	v3 =	vld [tilespmem:s12+$0x1A1E0];
	[tilespmem:s9+$0x161F0] =	vst v2;
	s9 =	smov.u32 s12  }
0xbe: {  	v2 =	vld [tilespmem:s9+$0x1A1F0]  }
0xbf: {  	v8 =	vld [tilespmem:s9+$0x16180]  }
0xc0: {  	v9 =	vld [tilespmem:s9+$0x16190]  }
.Ltmp9:
0xc1: {  	v12 =	vld [tilespmem:s9+$0x161A0];
	(pc) =	sbr.rel @p1 .LBB2_13-.Ltmp9, $4  }
0xc2: {  	v11 =	vld [tilespmem:s9+$0x161B0]  }
0xc3: {  	v10 =	vld [tilespmem:s9+$0x161C0]  }
0xc4: {  	v14 =	vmul.f32 v14, v8;
	v8 =	vld [tilespmem:s9+$0x161D0]  }
0xc5: {  	s5 =	sadd.s32 $0x200, s5;
	v13 =	vmul.f32 v13, v9;
	v9 =	vld [tilespmem:s9+$0x161E0]  }
0xc6: {  	[tilespmem:s9+$0x16180] =	vst v14;
	v7 =	vmul.f32 v7, v12;
	v63 =	vld [tilespmem:s9+$0x161F0]  }
0xc7: {  	[tilespmem:s9+$0x16190] =	vst v13;
	v6 =	vmul.f32 v6, v11  }
0xc8: {  	[tilespmem:s9+$0x161A0] =	vst v7;
	v5 =	vmul.f32 v5, v10  }
0xc9: {  	[tilespmem:s9+$0x161B0] =	vst v6;
	v4 =	vmul.f32 v4, v8  }
0xca: {  	[tilespmem:s9+$0x161C0] =	vst v5;
	v3 =	vmul.f32 v3, v9  }
0xcb: {  	[tilespmem:s9+$0x161D0] =	vst v4;
	v2 =	vmul.f32 v2, v63  }
0xcc: {  	[tilespmem:s9+$0x161E0] =	vst v3  }
.Ltmp10:
0xcd: {  	[tilespmem:s9+$0x161F0] =	vst v2;
	(pc) =	sbr.rel .LBB2_15-.Ltmp10, $4  }
0xce: {  	[spmem:s3] =	stream.indirect.scatter.add.f32 [tilespmem:s31], [sflag:$0x5], $0x80, s30, s19, $0xb8;
	[tilespmem:$0x1C180] =	vst v63  }
0xcf: {  	_ =	swait.ge [sflag:s18], $0x2000  }
0xd0: {  	[sflag:s18] =	ssyncset.done $0x0  }
0xd1: {  	[sflag:s18] =	ssyncadd.s32 $0xFFFFE000  }
.LBB2_16:
0xd2: {  	[bflag:$0x0] =	sbarrier.arrive $0xFFFF;
	s2 =	simm.s32 $0x0;
	s5 =	simm.s32 $0x200  }
.LBB2_17:
0xd3: {  	p0 =	sne.s32 s5, $0x7E00;
	[tilespmem:s2+$0x161F0] =	vst v0  }
0xd4: {  	[tilespmem:s2+$0x16180] =	vst v0  }
0xd5: {  	[tilespmem:s2+$0x16190] =	vst v0  }
.Ltmp11:
0xd6: {  	[tilespmem:s2+$0x161A0] =	vst v0;
	(pc) =	sbr.rel @p0 .LBB2_17-.Ltmp11, $4  }
0xd7: {  	[tilespmem:s2+$0x161B0] =	vst v0  }
0xd8: {  	[tilespmem:s2+$0x161C0] =	vst v0  }
0xd9: {  	[tilespmem:s2+$0x161D0] =	vst v0  }
0xda: {  	[tilespmem:s2+$0x161E0] =	vst v0;
	s2 =	sshra.s32 s5, $0x2;
	s5 =	sadd.s32 $0x200, s5  }
0xdb: {  	[tilespmem:s2+$0x161F0] =	vst v0  }
0xdc: {  	[tilespmem:s2+$0x16180] =	vst v0  }
0xdd: {  	[tilespmem:s2+$0x16190] =	vst v0  }
0xde: {  	[tilespmem:s2+$0x161A0] =	vst v0  }
0xdf: {  	p1 =	sgt.u32 s6, $0x9D;
	[tilespmem:s2+$0x161B0] =	vst v0  }
0xe0: {  	[tilespmem:s2+$0x161C0] =	vst v0;
	p2 =	por p1, p1  }
0xe1: {  	[tilespmem:s2+$0x161D0] =	vst v0;
	s5 =	sadd.s32 @!p2 $0x0, s11;
	v2 =	vlaneseq.u32 @!p2  }
0xe2: {  	[tilespmem:s2+$0x161E0] =	vst v0;
	p4 =	por p2, p2;
	s9 =	sadd.s32 @!p2 $0x10, s5;
	v4 =	vor.u32 @!p2 s5, v2  }
0xe3: {  	s2 =	sadd.s32 @!p2 $0x30, s5;
	v3 =	vor.u32 @!p2 s9, v2;
	[tilespmem:$0x14100] =	vst @!p4 v4  }
0xe4: {  	[tilespmem:$0x14110] =	vst @!p2 v3;
	v3 =	vor.u32 @!p2 s2, v2;
	s2 =	sadd.s32 @!p2 $0x20, s5  }
0xe5: {  	s15 =	simm.s32 $0x800;
	s20 =	simm.s32 @!p4 $0x40;
	[tilespmem:$0x14130] =	vst @!p2 v3;
	v2 =	vor.u32 @!p2 s2, v2  }
0xe6: {  	s22 =	simm.s32 @!p4 $0x14100;
	s12 =	simm.s32 @!p4 $0x14180;
	s9 =	simm.s32 @!p4 $0x1;
	[tilespmem:$0x14120] =	vst @!p4 v2  }
0xe7: {  	[tilespmem:s12], [sflag:$0x1] =	stream.indirect.gather @!p4 [spmem:s3], $0x80, s22, s20, $0xb8;
	[tilespmem:$0x1C180] =	vst v63  }
0xe8: {  	s14 =	simm.s32 @!p1 $0x5;
	s23 =	simm.s32 @!p4 $0x6;
	_ =	swait.ge @!p4 [sflag:s9], $0x2000  }
0xe9: {  	s5 =	simm.s32 $0x400;
	s2 =	sadd.s32 $0x10, s6;
	[sflag:s9] =	ssyncset.done @!p4 $0x0  }
0xea: {  	s13 =	rddreg [dreg:$0x9];
	[sflag:s9] =	ssyncadd.s32 @!p4 $0xFFFFE000;
	s9 =	simm.s32 @!p4 $0x0  }
0xeb: {  	[hbm4b:s13+s9] =	stream.linear.scatter @!p4 [tilespmem:s12], [sflag:$0x6], $0x2000, $0x38;
	[tilespmem:$0x1C180] =	vst v63  }
0xec: {  	p3 =	sgt.u32 s2, $0x9D;
	s16 =	sadd.s32 $0x10, s2;
	_ =	swait.ge @!p4 [sflag:s23], $0x2000  }
0xed: {  	p5 =	por p3, p3;
	s9 =	simm.s32 @!p3 $0x5;
	[sflag:s23] =	ssyncset.done @!p4 $0x0  }
0xee: {  	s12 =	sadd.s32 $0x4000, s13;
	[sflag:s23] =	ssyncadd.s32 @!p4 $0xFFFFE000;
	s23 =	simm.s32 @!p4 $0x16180  }
.LBB2_19:
0xef: {  	[spmem:s3] =	stream.indirect.scatter @!p4 [tilespmem:s23], [sflag:$0x5], $0x80, s22, s20, $0xb8;
	[tilespmem:$0x1C180] =	vst v63  }
0xf0: {  	s20 =	smov.u32 s15  }
0xf1: {  	p0 =	sgt.u32 s16, $0x9D;
	s5 =	sadd.s32 @!p5 s5, s11;
	_ =	swait.ge @!p4 [sflag:s14], $0x2000  }
0xf2: {  	v2 =	vlaneseq.u32 @!p5;
	s22 =	sadd.s32 @!p5 $0x10, s5;
	s23 =	sadd.s32 @!p5 $0x20, s5;
	[sflag:s14] =	ssyncset.done @!p4 $0x0  }
0xf3: {  	s13 =	simm.s32 @!p0 $0x5;
	v3 =	vor.u32 @!p5 s22, v2;
	v4 =	vor.u32 @!p5 s23, v2;
	s22 =	sadd.s32 @!p5 $0x30, s5;
	[sflag:s14] =	ssyncadd.s32 @!p4 $0xFFFFE000  }
0xf4: {  	s15 =	sadd.s32 $0x400, s15;
	v5 =	vor.u32 @!p5 s5, v2;
	v2 =	vor.u32 @!p5 s22, v2;
	s14 =	smov.u32 s9;
	s9 =	smov.u32 s13;
	[tilespmem:$0x14110] =	vst @!p5 v3  }
0xf5: {  	p6 =	sne.s32 s15, $0x2800;
	s5 =	smov.u32 s20;
	p4 =	por p5, p5;
	[tilespmem:$0x14130] =	vst @!p5 v2  }
0xf6: {  	s13 =	simm.s32 @!p4 $0x1;
	p5 =	por p0, p0;
	[tilespmem:$0x14100] =	vst @!p4 v5  }
0xf7: {  	s20 =	simm.s32 @!p4 $0x40;
	s22 =	simm.s32 @!p4 $0x14100;
	s23 =	simm.s32 @!p4 $0x14180;
	[tilespmem:$0x14120] =	vst @!p4 v4  }
0xf8: {  	[tilespmem:s23], [sflag:$0x1] =	stream.indirect.gather @!p4 [spmem:s3], $0x80, s22, s20, $0xb8;
	[tilespmem:$0x1C180] =	vst v63  }
0xf9: {  	_ =	swait.ge @!p4 [sflag:s13], $0x2000  }
0xfa: {  	s30 =	simm.s32 @!p4 $0x6;
	[sflag:s13] =	ssyncset.done @!p4 $0x0  }
.Ltmp12:
0xfb: {  	[sflag:s13] =	ssyncadd.s32 @!p4 $0xFFFFE000;
	s13 =	simm.s32 @!p4 $0x0;
	(pc) =	sbr.rel @p6 .LBB2_19-.Ltmp12, $4  }
0xfc: {  	[hbm4b:s12+s13] =	stream.linear.scatter @!p4 [tilespmem:s23], [sflag:$0x6], $0x2000, $0x38;
	[tilespmem:$0x1C180] =	vst v63  }
0xfd: {  	_ =	swait.ge @!p4 [sflag:s30], $0x2000  }
0xfe: {  	s12 =	sadd.s32 $0x4000, s12;
	[sflag:s30] =	ssyncset.done @!p4 $0x0  }
0xff: {  	s16 =	sadd.s32 $0x10, s16;
	s23 =	simm.s32 @!p4 $0x16180;
	[sflag:s30] =	ssyncadd.s32 @!p4 $0xFFFFE000  }
0x100: {  	[spmem:s3] =	stream.indirect.scatter @!p4 [tilespmem:s23], [sflag:$0x5], $0x80, s22, s20, $0xb8;
	[tilespmem:$0x1C180] =	vst v63  }
0x101: {  	s5 =	sadd.s32 @!p5 s5, s11;
	_ =	swait.ge @!p4 [sflag:s14], $0x2000  }
0x102: {  	v2 =	vlaneseq.u32 @!p5;
	s13 =	sadd.s32 @!p5 $0x10, s5;
	[sflag:s14] =	ssyncset.done @!p4 $0x0  }
0x103: {  	v3 =	vor.u32 @!p5 s13, v2;
	[sflag:s14] =	ssyncadd.s32 @!p4 $0xFFFFE000  }
0x104: {  	p0 =	por p5, p5;
	v4 =	vor.u32 @!p5 s5, v2;
	s13 =	sadd.s32 @!p5 $0x30, s5;
	[tilespmem:$0x14110] =	vst @!p5 v3  }
0x105: {  	v3 =	vor.u32 @!p5 s13, v2;
	s13 =	sadd.s32 @!p5 $0x20, s5;
	[tilespmem:$0x14100] =	vst @!p0 v4  }
0x106: {  	s15 =	simm.s32 @!p0 $0x14180;
	[tilespmem:$0x14130] =	vst @!p5 v3;
	v2 =	vor.u32 @!p5 s13, v2  }
0x107: {  	s14 =	simm.s32 @!p0 $0x14100;
	s5 =	simm.s32 @!p0 $0x1;
	s13 =	simm.s32 @!p0 $0x40;
	[tilespmem:$0x14120] =	vst @!p0 v2  }
0x108: {  	[tilespmem:s15], [sflag:$0x1] =	stream.indirect.gather @!p0 [spmem:s3], $0x80, s14, s13, $0xb8;
	[tilespmem:$0x1C180] =	vst v63  }
0x109: {  	_ =	swait.ge @!p0 [sflag:s5], $0x2000  }
0x10a: {  	[sflag:s5] =	ssyncset.done @!p0 $0x0  }
0x10b: {  	s16 =	simm.s32 @!p0 $0x6;
	[sflag:s5] =	ssyncadd.s32 @!p0 $0xFFFFE000;
	s5 =	simm.s32 @!p0 $0x0  }
0x10c: {  	[hbm4b:s12+s5] =	stream.linear.scatter @!p0 [tilespmem:s15], [sflag:$0x6], $0x2000, $0x38;
	[tilespmem:$0x1C180] =	vst v63  }
0x10d: {  	_ =	swait.ge @!p0 [sflag:s16], $0x2000  }
0x10e: {  	[sflag:s16] =	ssyncset.done @!p0 $0x0  }
0x10f: {  	s5 =	simm.s32 @!p0 $0x16180;
	[sflag:s16] =	ssyncadd.s32 @!p0 $0xFFFFE000  }
0x110: {  	[spmem:s3] =	stream.indirect.scatter @!p0 [tilespmem:s5], [sflag:$0x5], $0x80, s14, s13, $0xb8;
	[tilespmem:$0x1C180] =	vst v63  }
0x111: {  	_ =	swait.ge @!p0 [sflag:s9], $0x2000  }
0x112: {  	[sflag:s9] =	ssyncset.done @!p0 $0x0  }
0x113: {  	[sflag:s9] =	ssyncadd.s32 @!p0 $0xFFFFE000  }
0x114: {  	s5 =	simm.s32 $0x0;
	s9 =	simm.s32 $0x200;
	[bflag:$0x0] =	sbarrier.arrive $0xFFFF  }
.LBB2_21:
0x115: {  	p0 =	sne.s32 s9, $0x7E00;
	[tilespmem:s5+$0x141F0] =	vst v1  }
0x116: {  	[tilespmem:s5+$0x14180] =	vst v1  }
0x117: {  	[tilespmem:s5+$0x14190] =	vst v1  }
.Ltmp13:
0x118: {  	[tilespmem:s5+$0x141A0] =	vst v1;
	(pc) =	sbr.rel @p0 .LBB2_21-.Ltmp13, $4  }
0x119: {  	[tilespmem:s5+$0x141B0] =	vst v1  }
0x11a: {  	[tilespmem:s5+$0x141C0] =	vst v1  }
0x11b: {  	[tilespmem:s5+$0x141D0] =	vst v1  }
0x11c: {  	[tilespmem:s5+$0x141E0] =	vst v1;
	s5 =	sshra.s32 s9, $0x2;
	s9 =	sadd.s32 $0x200, s9  }
0x11d: {  	[tilespmem:s5+$0x141F0] =	vst v1  }
0x11e: {  	[tilespmem:s5+$0x14180] =	vst v1  }
0x11f: {  	[tilespmem:s5+$0x14190] =	vst v1  }
0x120: {  	[tilespmem:s5+$0x141A0] =	vst v1  }
0x121: {  	[tilespmem:s5+$0x141B0] =	vst v1;
	s9 =	sadd.s32 $0x0, s8  }
0x122: {  	[tilespmem:s5+$0x141C0] =	vst v1;
	p0 =	sgt.u32 s9, $0x1387  }
0x123: {  	[tilespmem:s5+$0x141D0] =	vst v1;
	s13 =	rddreg [dreg:$0xa];
	p4 =	por p0, p0  }
0x124: {  	[tilespmem:s5+$0x141E0] =	vst v1;
	s5 =	simm.s32 @!p0 $0x0;
	s9 =	simm.s32 @!p0 $0x14080;
	s12 =	simm.s32 @!p4 $0x6  }
0x125: {  	[tilespmem:s9], [sflag:$0x6] =	stream.linear.gather @!p4 [hbm4b:s13+s5], $0x80, $0x38;
	[tilespmem:$0x1C180] =	vst v63  }
0x126: {  	_ =	swait.ge @!p4 [sflag:s12], $0x80  }
0x127: {  	s23 =	sadd.s32 $0x20, s8;
	[sflag:s12] =	ssyncset.done @!p4 $0x0  }
0x128: {  	s5 =	simm.s32 @!p4 $0x40;
	[sflag:s12] =	ssyncadd.s32 @!p4 $0xFFFFFF80;
	s12 =	simm.s32 @!p4 $0x14180  }
0x129: {  	[spmem:s3] =	stream.indirect.scatter.add.f32 @!p4 [tilespmem:s12], [sflag:$0x5], $0x80, s9, s5, $0xb8;
	[tilespmem:$0x1C180] =	vst v63  }
0x12a: {  	s30 =	simm.s32 $0x13E80;
	p0 =	sgt.u32 s23, $0x1387;
	s12 =	simm.s32 @!p4 $0x5  }
0x12b: {  	s9 =	simm.s32 $0x40;
	s5 =	sadd.s32 $0x800, s13;
	_ =	swait.ge @!p4 [sflag:s12], $0x2000  }
.LBB2_23:
0x12c: {  	s13 =	simm.s32 @!p0 $0x0  }
0x12d: {  	s14 =	simm.s32 @!p0 $0x14080;
	[sflag:s12] =	ssyncset.done @!p4 $0x0;
	s15 =	smov.u32 s9  }
0x12e: {  	p5 =	por p4, p4;
	p4 =	por p0, p0;
	s9 =	sadd.s32 $0x20, s9  }
0x12f: {  	s16 =	simm.s32 @!p4 $0x6;
	[sflag:s12] =	ssyncadd.s32 @!p5 $0xFFFFE000;
	p5 =	sne.s32 s9, $0x13A0  }
0x130: {  	[tilespmem:s14], [sflag:$0x6] =	stream.linear.gather @!p4 [hbm4b:s5+s13], $0x80, $0x38;
	[tilespmem:$0x1C180] =	vst v63  }
.Ltmp14:
0x131: {  	_ =	swait.ge @!p4 [sflag:s16], $0x80;
	(pc) =	sbr.rel @p5 .LBB2_23-.Ltmp14, $4  }
0x132: {  	s12 =	simm.s32 @!p4 $0x5;
	s13 =	sadd.s32 s15, s8;
	[sflag:s16] =	ssyncset.done @!p4 $0x0  }
0x133: {  	s15 =	simm.s32 @!p4 $0x40;
	[sflag:s16] =	ssyncadd.s32 @!p4 $0xFFFFFF80;
	s16 =	simm.s32 @!p4 $0x14180  }
0x134: {  	[spmem:s3] =	stream.indirect.scatter.add.f32 @!p4 [tilespmem:s16], [sflag:$0x5], $0x80, s14, s15, $0xb8;
	[tilespmem:$0x1C180] =	vst v63  }
0x135: {  	s5 =	sadd.s32 $0x800, s5;
	p0 =	sgt.u32 s13, $0x1387;
	_ =	swait.ge @!p4 [sflag:s12], $0x2000  }
0x136: {  	s9 =	simm.s32 @!p0 $0x0  }
0x137: {  	[sflag:s12] =	ssyncset.done @!p4 $0x0;
	p4 =	por p4, p4;
	p5 =	por p0, p0  }
0x138: {  	s13 =	simm.s32 @!p0 $0x14080;
	s14 =	simm.s32 @!p5 $0x6;
	[sflag:s12] =	ssyncadd.s32 @!p4 $0xFFFFE000  }
0x139: {  	[tilespmem:s13], [sflag:$0x6] =	stream.linear.gather @!p5 [hbm4b:s5+s9], $0x80, $0x38;
	[tilespmem:$0x1C180] =	vst v63  }
0x13a: {  	_ =	swait.ge @!p5 [sflag:s14], $0x80  }
0x13b: {  	s12 =	simm.s32 @!p5 $0x14180;
	[sflag:s14] =	ssyncset.done @!p5 $0x0  }
0x13c: {  	s5 =	simm.s32 @!p5 $0x5;
	s9 =	simm.s32 @!p5 $0x40;
	[sflag:s14] =	ssyncadd.s32 @!p5 $0xFFFFFF80  }
0x13d: {  	[spmem:s3] =	stream.indirect.scatter.add.f32 @!p5 [tilespmem:s12], [sflag:$0x5], $0x80, s13, s9, $0xb8;
	[tilespmem:$0x1C180] =	vst v63  }
0x13e: {  	_ =	swait.ge @!p5 [sflag:s5], $0x2000  }
0x13f: {  	p0 =	por p5, p5;
	s9 =	sadd.s32 @!p2 $0x0, s11;
	[sflag:s5] =	ssyncset.done @!p5 $0x0  }
0x140: {  	v2 =	vlaneseq.u32 @!p2;
	[sflag:s5] =	ssyncadd.s32 @!p0 $0xFFFFE000;
	s5 =	sadd.s32 @!p2 $0x10, s9  }
0x141: {  	[bflag:$0x0] =	sbarrier.arrive $0xFFFF;
	v3 =	vor.u32 @!p2 s5, v2  }
0x142: {  	p4 =	por p2, p2;
	v4 =	vor.u32 @!p2 s9, v2;
	s5 =	sadd.s32 @!p2 $0x30, s9;
	[tilespmem:$0x14110] =	vst @!p2 v3  }
0x143: {  	s16 =	simm.s32 $0x400;
	s15 =	simm.s32 $0x800;
	v3 =	vor.u32 @!p2 s5, v2;
	s5 =	sadd.s32 @!p2 $0x20, s9;
	[tilespmem:$0x14100] =	vst @!p4 v4  }
0x144: {  	s2 =	sadd.s32 $0x10, s2;
	s20 =	simm.s32 @!p4 $0x14180;
	s22 =	simm.s32 @!p4 $0x0;
	[tilespmem:$0x14130] =	vst @!p2 v3;
	v2 =	vor.u32 @!p2 s5, v2  }
0x145: {  	s12 =	simm.s32 @!p4 $0x14100;
	s9 =	simm.s32 @!p4 $0x40;
	s5 =	simm.s32 @!p4 $0x1;
	[tilespmem:$0x14120] =	vst @!p4 v2  }
0x146: {  	[tilespmem:s20], [sflag:$0x1] =	stream.indirect.gather @!p4 [spmem:s3], $0x80, s12, s9, $0xb8;
	[tilespmem:$0x1C180] =	vst v63  }
0x147: {  	s14 =	simm.s32 @!p1 $0x5;
	p1 =	por p3, p3;
	_ =	swait.ge @!p4 [sflag:s5], $0x2000  }
0x148: {  	s9 =	simm.s32 @!p3 $0x5;
	[sflag:s5] =	ssyncset.done @!p4 $0x0;
	s23 =	rddreg [dreg:$0xb]  }
0x149: {  	s12 =	sadd.s32 $0x4000, s23;
	[sflag:s5] =	ssyncadd.s32 @!p4 $0xFFFFE000;
	s5 =	smov.u32 s23  }
.LBB2_25:
0x14a: {  	[hbm4b:s5+s22] =	stream.linear.scatter @!p4 [tilespmem:s20], [sflag:$0x5], $0x2000, $0x38;
	[tilespmem:$0x1C180] =	vst v63  }
0x14b: {  	s13 =	smov.u32 s15;
	s5 =	smov.u32 s12  }
0x14c: {  	p0 =	sgt.u32 s2, $0x9D;
	s16 =	sadd.s32 @!p1 s16, s11;
	_ =	swait.ge @!p4 [sflag:s14], $0x2000  }
0x14d: {  	v2 =	vlaneseq.u32 @!p1;
	s20 =	sadd.s32 @!p1 $0x10, s16;
	s22 =	sadd.s32 @!p1 $0x20, s16;
	[sflag:s14] =	ssyncset.done @!p4 $0x0  }
0x14e: {  	s23 =	simm.s32 @!p0 $0x5;
	v3 =	vor.u32 @!p1 s20, v2;
	v4 =	vor.u32 @!p1 s22, v2;
	s20 =	sadd.s32 @!p1 $0x30, s16;
	[sflag:s14] =	ssyncadd.s32 @!p4 $0xFFFFE000  }
0x14f: {  	s15 =	sadd.s32 $0x400, s15;
	v5 =	vor.u32 @!p1 s16, v2;
	v2 =	vor.u32 @!p1 s20, v2;
	s14 =	smov.u32 s9;
	s9 =	smov.u32 s23;
	[tilespmem:$0x14110] =	vst @!p1 v3  }
0x150: {  	p2 =	sne.s32 s15, $0x2800;
	s16 =	smov.u32 s13;
	p4 =	por p1, p1;
	[tilespmem:$0x14130] =	vst @!p1 v2  }
0x151: {  	s13 =	simm.s32 @!p4 $0x1;
	s22 =	simm.s32 @!p4 $0x40;
	p1 =	por p0, p0;
	[tilespmem:$0x14100] =	vst @!p4 v5  }
.Ltmp15:
0x152: {  	s23 =	simm.s32 @!p4 $0x14100;
	s20 =	simm.s32 @!p4 $0x14180;
	[tilespmem:$0x14120] =	vst @!p4 v4;
	(pc) =	sbr.rel @p2 .LBB2_25-.Ltmp15, $4  }
0x153: {  	[tilespmem:s20], [sflag:$0x1] =	stream.indirect.gather @!p4 [spmem:s3], $0x80, s23, s22, $0xb8;
	[tilespmem:$0x1C180] =	vst v63  }
0x154: {  	_ =	swait.ge @!p4 [sflag:s13], $0x2000  }
0x155: {  	s12 =	sadd.s32 $0x4000, s12;
	[sflag:s13] =	ssyncset.done @!p4 $0x0  }
0x156: {  	s2 =	sadd.s32 $0x10, s2;
	s22 =	simm.s32 @!p4 $0x0;
	[sflag:s13] =	ssyncadd.s32 @!p4 $0xFFFFE000  }
0x157: {  	[hbm4b:s5+s22] =	stream.linear.scatter @!p4 [tilespmem:s20], [sflag:$0x5], $0x2000, $0x38;
	[tilespmem:$0x1C180] =	vst v63  }
0x158: {  	s2 =	sadd.s32 @!p1 s16, s11;
	_ =	swait.ge @!p4 [sflag:s14], $0x2000  }
0x159: {  	v2 =	vlaneseq.u32 @!p1;
	s5 =	sadd.s32 @!p1 $0x10, s2;
	[sflag:s14] =	ssyncset.done @!p4 $0x0  }
0x15a: {  	v3 =	vor.u32 @!p1 s5, v2;
	[sflag:s14] =	ssyncadd.s32 @!p4 $0xFFFFE000  }
0x15b: {  	p0 =	por p1, p1;
	v4 =	vor.u32 @!p1 s2, v2;
	s5 =	sadd.s32 @!p1 $0x30, s2;
	[tilespmem:$0x14110] =	vst @!p1 v3  }
0x15c: {  	v3 =	vor.u32 @!p1 s5, v2;
	s5 =	sadd.s32 @!p1 $0x20, s2;
	[tilespmem:$0x14100] =	vst @!p0 v4  }
0x15d: {  	s13 =	simm.s32 @!p0 $0x14100;
	[tilespmem:$0x14130] =	vst @!p1 v3;
	v2 =	vor.u32 @!p1 s5, v2  }
0x15e: {  	s14 =	simm.s32 @!p0 $0x14180;
	s2 =	simm.s32 @!p0 $0x1;
	s5 =	simm.s32 @!p0 $0x40;
	[tilespmem:$0x14120] =	vst @!p0 v2  }
0x15f: {  	[tilespmem:s14], [sflag:$0x1] =	stream.indirect.gather @!p0 [spmem:s3], $0x80, s13, s5, $0xb8;
	[tilespmem:$0x1C180] =	vst v63  }
0x160: {  	_ =	swait.ge @!p0 [sflag:s2], $0x2000  }
0x161: {  	[sflag:s2] =	ssyncset.done @!p0 $0x0  }
0x162: {  	[sflag:s2] =	ssyncadd.s32 @!p0 $0xFFFFE000;
	s2 =	simm.s32 @!p0 $0x0  }
0x163: {  	[hbm4b:s12+s2] =	stream.linear.scatter @!p0 [tilespmem:s14], [sflag:$0x5], $0x2000, $0x38;
	[tilespmem:$0x1C180] =	vst v63  }
0x164: {  	_ =	swait.ge @!p0 [sflag:s9], $0x2000  }
0x165: {  	s0 =	sadd.s32 $0x1, s0;
	s23 =	rddreg [dreg:$0x7]  }
0x166: {  	p1 =	sne.s32 s0, s23  }
.Ltmp16:
0x167: {  	_ = 	snop;
	(pc) =	sbr.rel @p1 .LBB2_1-.Ltmp16, $3  }
0x168: {  	_ =	sdelay $0x1  }
0x169: {  	s20 =	simm.s32 $0x13D00;
	s22 =	simm.s32 $0x13D80;
	[sflag:s9] =	ssyncset.done @!p0 $0x0  }
0x16a: {  	s13 =	simm.s32 $0x0;
	[sflag:s9] =	ssyncadd.s32 @!p0 $0xFFFFE000;
	s23 =	simm.s32 $0x18180  }
0x16b: {  	_ =	sfence.sel $0x180000  }
0x16c: {  	[bflag:$0x0] =	sbarrier.arrive $0xFFFF  }
0x16d: {  	_ =	strace $0x90000047  }
0x16e: {  	[bflag:$0x2] =	sbarrier.arrive $0xFFFF  }
0x16f: {  	s1 =	sld [smem:$0x7FD];
	_ =	sdelay $0x2  }
0x170: {  	s0 =	rddreg [dreg:$0x5];
	p0 =	seq.s32 s1, $0x1  }
0x171: {  	s0 =	sadd.s32 @!p0 $0x100000, s0  }
0x172: {  	[sflag:s0] =	ssyncadd.tile.s32 @!p0 $0x1;
	_ =	shalt  }
.Lfunc_end2:
_tile_overlayer_lowered:
.L_overlay_start_2:
0x173: {  	(tag) =	ssettag $0x2  }
0x174: {  	s0 =	rddreg [dreg:$0x0];
	s2 =	stileid.u32  }
0x175: {  	s1 =	rddreg [dreg:$0x1];
	p0 =	sne.s32 s2, $0x0  }
0x176: {  	s3 =	rddreg [dreg:$0x2];
	[bflag:$0x3] =	sbarrier.arrive $0xFFFF;
	s2 =	simm.s32 @!p0 $0x1C05  }
0x177: {  	[timem:s3], [sflag:s2] =	dma.local @!p0 [hbm:s0], s1  }
0x178: {  	s0 =	simm.s32 @!p0 $0x5  }
0x179: {  	_ =	swait.ge @!p0 [sflag:s0], s1  }
0x17a: {  	s1 =	ssub.s32 @!p0 $0x0, s1;
	[sflag:s0] =	ssyncset.done @!p0 $0x0  }
0x17b: {  	[sflag:s0] =	ssyncadd.s32 @!p0 s1  }
0x17c: {  	[bflag:$0x3] =	sbarrier.arrive $0xFFFF  }
0x17d: {  	_ =	shalt  }

</sc_bundles>
